<compile_context>
chip_gen: v7x
topology: tpu7x:2x2x1
jax: 0.10.2.dev20260603
libtpu: 0.0.44.dev20260713+nightly
codegen_flags: <defaults>
</compile_context>

<pallas_src>
import functools

import jax
import jax.numpy as jnp
from jax import lax
from jax.experimental import pallas as pl
from jax.experimental.pallas import tpu as pltpu
from jax.experimental.pallas import tpu_sc as plsc

VOCAB = 100000
EMBED_DIM = 64
NEG_RATIO = 5
POWER = 0.75
LANES = 128
ROWS = 784
N = 1024
NB = N * NEG_RATIO
LAST_ROW = (VOCAB - 1) // LANES

_F32 = jnp.float32
_I32 = jnp.int32


def _sample_body(fp_ref, y_ref, yrep_ref, pred_ref, negh_ref, par_ref,
                 logd_ref, pos_ref):
    f = fp_ref[:]
    valid = f > 0.0
    p = jnp.where(valid, jnp.exp(POWER * jnp.log(jnp.where(valid, f, 1.0))), 0.0)
    rowsum = jnp.sum(p, axis=1, keepdims=True)

    i0 = lax.broadcasted_iota(_I32, (ROWS, ROWS), 0)
    i1 = lax.broadcasted_iota(_I32, (ROWS, ROWS), 1)
    w_incl = (i0 <= i1).astype(_F32) * rowsum
    rowcdf_row = jnp.dot(jnp.ones((1, ROWS), _F32), w_incl,
                         preferred_element_type=_F32,
                 precision=lax.Precision.HIGHEST)
    z_tot = rowcdf_row[0:1, ROWS - 1:ROWS]
    log_z = jnp.log(z_tot)

    u0 = lax.broadcasted_iota(_I32, (LANES, LANES), 0)
    u1 = lax.broadcasted_iota(_I32, (LANES, LANES), 1)
    u_tri = (u0 <= u1).astype(_F32)

    pltpu.prng_seed(0x5EED)
    bits = pltpu.prng_random_bits((NB, 1))
    bits = bits.astype(jnp.uint32)
    uu = ((bits >> jnp.uint32(8)).astype(_I32)).astype(_F32) * _F32(1.0 / (1 << 24))
    t_all = uu * z_tot

    def pick(t, m):
        cmpb = rowcdf_row <= t
        r = jnp.minimum(jnp.sum(cmpb.astype(_F32), axis=1,
                                keepdims=True).astype(_I32), LAST_ROW)
        base_s = jnp.max(jnp.where(cmpb, rowcdf_row, 0.0), axis=1,
                         keepdims=True)
        one_r = (lax.broadcasted_iota(_I32, (m, ROWS), 1) == r).astype(_F32)
        rows_p = jnp.dot(one_r, p, preferred_element_type=_F32)
        tl = t - base_s
        pref = jnp.dot(rows_p, u_tri, preferred_element_type=_F32)
        in_lane = (pref <= tl).astype(_F32)
        c = jnp.sum(in_lane, axis=1, keepdims=True).astype(_I32)
        nvalid = jnp.sum((rows_p > 0.0).astype(_F32), axis=1,
                         keepdims=True).astype(_I32)
        c = jnp.minimum(c, nvalid - 1)
        one_c = (lax.broadcasted_iota(_I32, (m, LANES), 1) == c).astype(_F32)
        p_v = jnp.sum(rows_p * one_c, axis=1, keepdims=True)
        v = jnp.minimum(r * LANES + c, VOCAB - 1)
        return v, p_v

    chunk = 640
    for k in range(NB // chunk):
        sl = slice(k * chunk, (k + 1) * chunk)
        v1, pv1 = pick(t_all[sl, 0:1], chunk)
        v2 = jnp.concatenate([v1[chunk - 1:chunk, :], v1[:chunk - 1, :]], axis=0)
        pv2 = jnp.concatenate([pv1[chunk - 1:chunk, :], pv1[:chunk - 1, :]],
                              axis=0)
        coll = v1 == yrep_ref[sl, :]
        v = jnp.where(coll, v2, v1)
        p_v = jnp.where(coll, pv2, pv1)
        negh_ref[sl, :] = v >> 1
        par_ref[sl, :] = v & 1
        logd_ref[sl, :] = jnp.log(jnp.maximum(p_v, 1e-30)) - log_z

    y = y_ref[:]
    ry = y // LANES
    cy = y - ry * LANES
    one_ry = (lax.broadcasted_iota(_I32, (N, ROWS), 1) == ry).astype(_F32)
    rows_py = jnp.dot(one_ry, p, preferred_element_type=_F32)
    one_cy = (lax.broadcasted_iota(_I32, (N, LANES), 1) == cy).astype(_F32)
    p_y = jnp.sum(rows_py * one_cy, axis=1, keepdims=True)
    logd_y = jnp.log(jnp.maximum(p_y, 1e-30)) - log_z
    z = pred_ref[:] - _F32(NEG_RATIO) * logd_y
    term = jnp.maximum(z, 0.0) - z + jnp.log(1.0 + jnp.exp(-jnp.abs(z)))
    pos_ref[:] = jnp.sum(term, axis=0, keepdims=True) * _F32(1.0 / N)


def _tc_sample(fp2d, y_col, yrep_col, pred_col):
    return pl.pallas_call(
        _sample_body,
        out_shape=[
            jax.ShapeDtypeStruct((NB, 1), _I32),
            jax.ShapeDtypeStruct((NB, 1), _I32),
            jax.ShapeDtypeStruct((NB, 1), _F32),
            jax.ShapeDtypeStruct((1, 1), _F32),
        ],
    )(fp2d, y_col, yrep_col, pred_col)


PACKED = 2 * EMBED_DIM


@functools.cache
def _make_sc_gather(name):
    info = plsc.get_sparse_core_info()
    nc, ns = info.num_cores, info.num_subcores
    nw = nc * ns
    b_per_w = NB // nw
    n_chunks = 2
    chunk = b_per_w // n_chunks
    mesh = plsc.VectorSubcoreMesh(core_axis_name="c", subcore_axis_name="s",
                                  num_cores=nc, num_subcores=ns)

    @functools.partial(
        pl.kernel,
        mesh=mesh,
        out_type=jax.ShapeDtypeStruct((NB, PACKED), _F32),
        scratch_types=[
            pltpu.VMEM((n_chunks, chunk), _I32),
            pltpu.VMEM((chunk, PACKED), _F32),
            pltpu.SemaphoreType.DMA,
        ],
        name=name,
    )
    def sc_gather(table_hbm, idx_hbm, out_hbm, idx_v, rows_v, sem):
        wid = lax.axis_index("s") * nc + lax.axis_index("c")
        base = wid * b_per_w
        for j in range(n_chunks):
            pltpu.sync_copy(idx_hbm.at[pl.ds(base + j * chunk, chunk)], idx_v.at[j])
            pltpu.async_copy(table_hbm.at[idx_v.at[j]], rows_v, sem).wait()
            pltpu.sync_copy(rows_v, out_hbm.at[pl.ds(base + j * chunk, chunk)])

    return sc_gather


def _loss_body(wx_ref, wy_ref, parx_ref, pary_ref, logd_ref, pos_ref, out_ref):
    wxh = jnp.where(parx_ref[:] == 1, wx_ref[:, EMBED_DIM:PACKED],
                    wx_ref[:, 0:EMBED_DIM])
    wyh = jnp.where(pary_ref[:] == 1, wy_ref[:, EMBED_DIM:PACKED],
                    wy_ref[:, 0:EMBED_DIM])
    npred = jnp.sum(wxh * wyh, axis=1, keepdims=True)
    z = npred - _F32(NEG_RATIO) * logd_ref[:]
    term = jnp.maximum(z, 0.0) + jnp.log(1.0 + jnp.exp(-jnp.abs(z)))
    neg_loss = jnp.sum(term, axis=0, keepdims=True) * _F32(1.0 / NB)
    out_ref[:] = pos_ref[:] + _F32(NEG_RATIO) * neg_loss


def _tc_loss(wxg, wyg, parx, pary, logd_neg, pos_loss):
    return pl.pallas_call(
        _loss_body,
        out_shape=jax.ShapeDtypeStruct((1, 1), _F32),
    )(wxg, wyg, parx, pary, logd_neg, pos_loss)


def kernel(word_freqs, Wx, Wy, x_indices, y_indices, pred):
    fp2d = jnp.pad(word_freqs, (0, ROWS * LANES - VOCAB)).reshape(ROWS, LANES)
    y_flat = y_indices.reshape(N)
    x_flat = x_indices.reshape(N)
    y_col = y_flat.reshape(N, 1)
    yrep_col = jnp.repeat(y_flat, NEG_RATIO).reshape(NB, 1)
    pred_col = pred.reshape(N, 1).astype(_F32)

    negh_col, pary, logd_neg, pos_loss = _tc_sample(
        fp2d, y_col, yrep_col, pred_col)

    x_rep = jnp.repeat(x_flat, NEG_RATIO)
    wx_pk = Wx.reshape(VOCAB // 2, PACKED)
    wy_pk = Wy.reshape(VOCAB // 2, PACKED)
    wxg = _make_sc_gather("sc_gather_wx")(wx_pk, x_rep >> 1)
    wyg = _make_sc_gather("sc_gather_wy")(wy_pk, negh_col.reshape(NB))
    parx = (x_rep & 1).reshape(NB, 1)

    out = _tc_loss(wxg, wyg, parx, pary, logd_neg, pos_loss)
    return out[0, 0]

# --- scband reference (transcript-rebuilt; emitter-appended) ---
"""Pipeline reference for scband-nce-6614249636340 (READ-ONLY COPY).

The authoritative reference and input builder live on the scoring server;
editing this copy changes nothing except your own understanding.
"""

import jax, jax.numpy as jnp
import numpy as np

VOCAB = 100000
EMBED_DIM = 64
NEG_RATIO = 5
POWER = 0.75
B, C, S = 1024, 1, 1


def _bce_with_logits(z, t):
    # numerically stable binary_cross_entropy_with_logits, mean reduction
    return jnp.mean(jnp.maximum(z, 0.0) - z * t + jnp.log1p(jnp.exp(-jnp.abs(z))))


def setup_inputs(seed: int = 0) -> dict:
    key = jax.random.key(seed)
    k1, k2, k3, k4, k5 = jax.random.split(key, 5)
    x_indices = jax.random.randint(k1, (B, C, S), 0, VOCAB, dtype=jnp.int32)
    y_indices = jax.random.randint(k2, (B, C, S), 0, VOCAB, dtype=jnp.int32)
    pred = jax.random.normal(k3, (B, C, S), dtype=jnp.float32)
    # init-time parameter: word frequencies (positive)
    word_freqs = jax.random.uniform(k4, (VOCAB,), minval=1.0, maxval=1000.0, dtype=jnp.float32)
    # surrogate VLBL model parameters: two embedding tables; model.forward(x, y) = <Wx[x], Wy[y]>
    kx, ky = jax.random.split(k5)
    Wx = jax.random.normal(kx, (VOCAB, EMBED_DIM), dtype=jnp.float32) * 0.02
    Wy = jax.random.normal(ky, (VOCAB, EMBED_DIM), dtype=jnp.float32) * 0.02
    return {"word_freqs": word_freqs, "Wx": Wx, "Wy": Wy,
            "x_indices": x_indices, "y_indices": y_indices, "pred": pred}


def reference(word_freqs, Wx, Wy, x_indices, y_indices, pred):
    # get_distribution: L1-normalized word_freqs ** power
    p = jnp.power(word_freqs, POWER)
    distribution = p / jnp.sum(p)

    b, c, s = y_indices.shape
    n = b * c * s

    # sample(): per-row noise distribution with the target token zeroed out,
    # then multinomial without replacement (Gumbel top-k trick).
    logp = jnp.log(distribution)
    g = jax.random.gumbel(jax.random.key(42), (n, VOCAB), dtype=jnp.float32)

    CHUNK = 128
    num_chunks = n // CHUNK
    g_chunks = g.reshape(num_chunks, CHUNK, VOCAB)
    y_chunks = y_indices.reshape(num_chunks, CHUNK)

    def _sample_chunk(carry, xs):
        g_i, y_i = xs
        logits = jnp.broadcast_to(logp[None, :], (CHUNK, VOCAB))
        logits = logits.at[jnp.arange(CHUNK), y_i].set(-jnp.inf)
        return carry, jax.lax.top_k(logits + g_i, NEG_RATIO)[1]

    _, neg_y = jax.lax.scan(_sample_chunk, 0, (g_chunks, y_chunks))
    neg_y = neg_y.reshape(n, NEG_RATIO)
    negative_y_indices = neg_y.reshape(b, c, s * NEG_RATIO)

    negative_x_indices = jnp.tile(x_indices, (1, 1, NEG_RATIO))

    # surrogate VLBL model forward: dot-product of embeddings (SparseCore gathers)
    negative_pred = jnp.sum(jnp.take(Wx, negative_x_indices, axis=0) *
                            jnp.take(Wy, negative_y_indices, axis=0), axis=-1)

    pos_z = pred - NEG_RATIO * jnp.log(jnp.take(distribution, y_indices, axis=0))
    neg_z = negative_pred - NEG_RATIO * jnp.log(jnp.take(distribution, negative_y_indices, axis=0))

    positive_loss = _bce_with_logits(pos_z, jnp.ones_like(pos_z))
    negative_loss = _bce_with_logits(neg_z, jnp.zeros_like(neg_z))
    return positive_loss + NEG_RATIO * negative_loss

if __name__ == "__main__":
    import jax
    _d = setup_inputs()
    print(jax.jit(kernel)(*tuple(_d.values())))

</pallas_src>

<mosaic_0001>
#map = affine_map<(d0, d1) -> (0, 0)>
#map1 = affine_map<(d0, d1) -> (0)>
module attributes {stable_mosaic.version = 14 : i64} {
  func.func @sc_gather_wx(%arg0: i32, %arg1: i32, %arg2: memref<50000x128xf32, #tpu.memory_space<hbm>>, %arg3: memref<5120xi32, #tpu.memory_space<hbm>>, %arg4: memref<5120x128xf32, #tpu.memory_space<hbm>>, %arg5: memref<2x80xi32, #tpu.memory_space<vmem>>, %arg6: memref<80x128xf32, #tpu.memory_space<vmem>>, %arg7: memref<!tpu.dma_semaphore, #tpu.memory_space<semaphore_mem>>) attributes {dimension_semantics = [#tpu.dimension_semantics<core_parallel>, #tpu.dimension_semantics<subcore_parallel>], iteration_bounds = array<i64: 2, 16>, scalar_prefetch = 0 : i64, scratch_operands = 3 : i64, tpu.core_type = #tpu.core_type<sc_vector_subcore>, window_params = [{transform_indices = #map}, {transform_indices = #map1}, {transform_indices = #map}]} {
    %mul3A = arith.constant 2 : i32
    %mul3A_0 = arith.muli %arg1, %mul3A : i32
    %add3A = arith.addi %mul3A_0, %arg0 : i32
    %mul3A_1 = arith.constant 160 : i32
    %mul3A_2 = arith.muli %add3A, %mul3A_1 : i32
    %add3A_3 = arith.constant 0 : i32
    %add3A_4 = arith.addi %mul3A_2, %add3A_3 : i32
    %run_scoped3A = arith.constant 0 : i32
    "tpu.region"() ({
      %run_scoped3A_38 = tpu.sem_alloc : memref<!tpu.dma_semaphore, #tpu.memory_space<semaphore_mem>>
      %dma_start3A_39 = arith.constant 0 : i32
      %dma_start3A_40 = tpu.memref_slice %arg5[%run_scoped3A, %dma_start3A_39] : memref<2x80xi32, #tpu.memory_space<vmem>> -> memref<1x80xi32, #tpu.memory_space<vmem>>
      %dma_start3A_41 = tpu.memref_squeeze %dma_start3A_40 : memref<1x80xi32, #tpu.memory_space<vmem>> -> memref<80xi32, #tpu.memory_space<vmem>>
      %dma_start3A_42 = tpu.memref_slice %arg3[%add3A_4] : memref<5120xi32, #tpu.memory_space<hbm>> -> memref<80xi32, #tpu.memory_space<hbm>>
      %dma_start3A_43 = arith.constant 0 : i32
      %dma_start3A_44 = tpu.memref_slice %arg5[%run_scoped3A, %dma_start3A_43] : memref<2x80xi32, #tpu.memory_space<vmem>> -> memref<1x80xi32, #tpu.memory_space<vmem>>
      %dma_start3A_45 = tpu.memref_squeeze %dma_start3A_44 : memref<1x80xi32, #tpu.memory_space<vmem>> -> memref<80xi32, #tpu.memory_space<vmem>>
      %dma_start3A_46 = tpu.memref_slice %arg3[%add3A_4] : memref<5120xi32, #tpu.memory_space<hbm>> -> memref<80xi32, #tpu.memory_space<hbm>>
      tpu.enqueue_dma source(%dma_start3A_46 : memref<80xi32, #tpu.memory_space<hbm>>) target(%dma_start3A_45 : memref<80xi32, #tpu.memory_space<vmem>>) target_semaphore(%run_scoped3A_38 : memref<!tpu.dma_semaphore, #tpu.memory_space<semaphore_mem>>)
      %dma_wait3A_47 = arith.constant 0 : i32
      %dma_wait3A_48 = tpu.memref_slice %arg5[%run_scoped3A, %dma_wait3A_47] : memref<2x80xi32, #tpu.memory_space<vmem>> -> memref<1x80xi32, #tpu.memory_space<vmem>>
      %dma_wait3A_49 = tpu.memref_squeeze %dma_wait3A_48 : memref<1x80xi32, #tpu.memory_space<vmem>> -> memref<80xi32, #tpu.memory_space<vmem>>
      %dma_wait3A_50 = tpu.memref_slice %arg3[%add3A_4] : memref<5120xi32, #tpu.memory_space<hbm>> -> memref<80xi32, #tpu.memory_space<hbm>>
      %dma_wait3A_51 = arith.constant 0 : i32
      %dma_wait3A_52 = tpu.memref_slice %arg5[%run_scoped3A, %dma_wait3A_51] : memref<2x80xi32, #tpu.memory_space<vmem>> -> memref<1x80xi32, #tpu.memory_space<vmem>>
      %dma_wait3A_53 = tpu.memref_squeeze %dma_wait3A_52 : memref<1x80xi32, #tpu.memory_space<vmem>> -> memref<80xi32, #tpu.memory_space<vmem>>
      %dma_wait3A_54 = tpu.memref_slice %arg3[%add3A_4] : memref<5120xi32, #tpu.memory_space<hbm>> -> memref<80xi32, #tpu.memory_space<hbm>>
      tpu.wait_dma2 semaphore(%run_scoped3A_38 : memref<!tpu.dma_semaphore, #tpu.memory_space<semaphore_mem>>) src(%dma_wait3A_54 : memref<80xi32, #tpu.memory_space<hbm>>) dst(%dma_wait3A_53 : memref<80xi32, #tpu.memory_space<vmem>>)
      tpu.yield
    }) : () -> ()
    %dma_start3A = arith.constant 0 : i32
    %dma_start3A_5 = arith.constant 0 : i32
    %dma_start3A_6 = tpu.memref_slice %arg5[%dma_start3A, %dma_start3A_5] : memref<2x80xi32, #tpu.memory_space<vmem>> -> memref<1x80xi32, #tpu.memory_space<vmem>>
    %dma_start3A_7 = tpu.memref_squeeze %dma_start3A_6 : memref<1x80xi32, #tpu.memory_space<vmem>> -> memref<80xi32, #tpu.memory_space<vmem>>
    %dma_start3A_8 = arith.constant 0 : i32
    %dma_start3A_9 = arith.constant 0 : i32
    %dma_start3A_10 = tpu.memref_slice %arg2[%dma_start3A_8, %dma_start3A_9] : memref<50000x128xf32, #tpu.memory_space<hbm>> -> memref<50000x128xf32, #tpu.memory_space<hbm>>
    tpu.enqueue_indirect_dma source(%dma_start3A_10 : memref<50000x128xf32, #tpu.memory_space<hbm>>) target(%arg6 : memref<80x128xf32, #tpu.memory_space<vmem>>) offsets(%dma_start3A_7 : memref<80xi32, #tpu.memory_space<vmem>>) semaphore(%arg7 : memref<!tpu.dma_semaphore, #tpu.memory_space<semaphore_mem>>)
    %dma_wait3A = arith.constant 0 : i32
    %dma_wait3A_11 = arith.constant 0 : i32
    %dma_wait3A_12 = tpu.memref_slice %arg5[%dma_wait3A, %dma_wait3A_11] : memref<2x80xi32, #tpu.memory_space<vmem>> -> memref<1x80xi32, #tpu.memory_space<vmem>>
    %dma_wait3A_13 = tpu.memref_squeeze %dma_wait3A_12 : memref<1x80xi32, #tpu.memory_space<vmem>> -> memref<80xi32, #tpu.memory_space<vmem>>
    %dma_wait3A_14 = arith.constant 0 : i32
    %dma_wait3A_15 = arith.constant 0 : i32
    %dma_wait3A_16 = tpu.memref_slice %arg2[%dma_wait3A_14, %dma_wait3A_15] : memref<50000x128xf32, #tpu.memory_space<hbm>> -> memref<50000x128xf32, #tpu.memory_space<hbm>>
    tpu.wait_indirect_dma semaphore(%arg7 : memref<!tpu.dma_semaphore, #tpu.memory_space<semaphore_mem>>) src(%dma_wait3A_16 : memref<50000x128xf32, #tpu.memory_space<hbm>>) dst(%arg6 : memref<80x128xf32, #tpu.memory_space<vmem>>)
    %add3A_17 = arith.constant 0 : i32
    %add3A_18 = arith.addi %mul3A_2, %add3A_17 : i32
    "tpu.region"() ({
      %run_scoped3A_38 = tpu.sem_alloc : memref<!tpu.dma_semaphore, #tpu.memory_space<semaphore_mem>>
      %dma_start3A_39 = arith.constant 0 : i32
      %dma_start3A_40 = tpu.memref_slice %arg4[%add3A_18, %dma_start3A_39] : memref<5120x128xf32, #tpu.memory_space<hbm>> -> memref<80x128xf32, #tpu.memory_space<hbm>>
      %dma_start3A_41 = arith.constant 0 : i32
      %dma_start3A_42 = tpu.memref_slice %arg4[%add3A_18, %dma_start3A_41] : memref<5120x128xf32, #tpu.memory_space<hbm>> -> memref<80x128xf32, #tpu.memory_space<hbm>>
      tpu.enqueue_dma source(%arg6 : memref<80x128xf32, #tpu.memory_space<vmem>>) target(%dma_start3A_42 : memref<80x128xf32, #tpu.memory_space<hbm>>) target_semaphore(%run_scoped3A_38 : memref<!tpu.dma_semaphore, #tpu.memory_space<semaphore_mem>>)
      %dma_wait3A_43 = arith.constant 0 : i32
      %dma_wait3A_44 = tpu.memref_slice %arg4[%add3A_18, %dma_wait3A_43] : memref<5120x128xf32, #tpu.memory_space<hbm>> -> memref<80x128xf32, #tpu.memory_space<hbm>>
      %dma_wait3A_45 = arith.constant 0 : i32
      %dma_wait3A_46 = tpu.memref_slice %arg4[%add3A_18, %dma_wait3A_45] : memref<5120x128xf32, #tpu.memory_space<hbm>> -> memref<80x128xf32, #tpu.memory_space<hbm>>
      tpu.wait_dma2 semaphore(%run_scoped3A_38 : memref<!tpu.dma_semaphore, #tpu.memory_space<semaphore_mem>>) src(%arg6 : memref<80x128xf32, #tpu.memory_space<vmem>>) dst(%dma_wait3A_46 : memref<80x128xf32, #tpu.memory_space<hbm>>)
      tpu.yield
    }) : () -> ()
    %add3A_19 = arith.constant 80 : i32
    %add3A_20 = arith.addi %mul3A_2, %add3A_19 : i32
    %run_scoped3A_21 = arith.constant 1 : i32
    "tpu.region"() ({
      %run_scoped3A_38 = tpu.sem_alloc : memref<!tpu.dma_semaphore, #tpu.memory_space<semaphore_mem>>
      %dma_start3A_39 = arith.constant 0 : i32
      %dma_start3A_40 = tpu.memref_slice %arg5[%run_scoped3A_21, %dma_start3A_39] : memref<2x80xi32, #tpu.memory_space<vmem>> -> memref<1x80xi32, #tpu.memory_space<vmem>>
      %dma_start3A_41 = tpu.memref_squeeze %dma_start3A_40 : memref<1x80xi32, #tpu.memory_space<vmem>> -> memref<80xi32, #tpu.memory_space<vmem>>
      %dma_start3A_42 = tpu.memref_slice %arg3[%add3A_20] : memref<5120xi32, #tpu.memory_space<hbm>> -> memref<80xi32, #tpu.memory_space<hbm>>
      %dma_start3A_43 = arith.constant 0 : i32
      %dma_start3A_44 = tpu.memref_slice %arg5[%run_scoped3A_21, %dma_start3A_43] : memref<2x80xi32, #tpu.memory_space<vmem>> -> memref<1x80xi32, #tpu.memory_space<vmem>>
      %dma_start3A_45 = tpu.memref_squeeze %dma_start3A_44 : memref<1x80xi32, #tpu.memory_space<vmem>> -> memref<80xi32, #tpu.memory_space<vmem>>
      %dma_start3A_46 = tpu.memref_slice %arg3[%add3A_20] : memref<5120xi32, #tpu.memory_space<hbm>> -> memref<80xi32, #tpu.memory_space<hbm>>
      tpu.enqueue_dma source(%dma_start3A_46 : memref<80xi32, #tpu.memory_space<hbm>>) target(%dma_start3A_45 : memref<80xi32, #tpu.memory_space<vmem>>) target_semaphore(%run_scoped3A_38 : memref<!tpu.dma_semaphore, #tpu.memory_space<semaphore_mem>>)
      %dma_wait3A_47 = arith.constant 0 : i32
      %dma_wait3A_48 = tpu.memref_slice %arg5[%run_scoped3A_21, %dma_wait3A_47] : memref<2x80xi32, #tpu.memory_space<vmem>> -> memref<1x80xi32, #tpu.memory_space<vmem>>
      %dma_wait3A_49 = tpu.memref_squeeze %dma_wait3A_48 : memref<1x80xi32, #tpu.memory_space<vmem>> -> memref<80xi32, #tpu.memory_space<vmem>>
      %dma_wait3A_50 = tpu.memref_slice %arg3[%add3A_20] : memref<5120xi32, #tpu.memory_space<hbm>> -> memref<80xi32, #tpu.memory_space<hbm>>
      %dma_wait3A_51 = arith.constant 0 : i32
      %dma_wait3A_52 = tpu.memref_slice %arg5[%run_scoped3A_21, %dma_wait3A_51] : memref<2x80xi32, #tpu.memory_space<vmem>> -> memref<1x80xi32, #tpu.memory_space<vmem>>
      %dma_wait3A_53 = tpu.memref_squeeze %dma_wait3A_52 : memref<1x80xi32, #tpu.memory_space<vmem>> -> memref<80xi32, #tpu.memory_space<vmem>>
      %dma_wait3A_54 = tpu.memref_slice %arg3[%add3A_20] : memref<5120xi32, #tpu.memory_space<hbm>> -> memref<80xi32, #tpu.memory_space<hbm>>
      tpu.wait_dma2 semaphore(%run_scoped3A_38 : memref<!tpu.dma_semaphore, #tpu.memory_space<semaphore_mem>>) src(%dma_wait3A_54 : memref<80xi32, #tpu.memory_space<hbm>>) dst(%dma_wait3A_53 : memref<80xi32, #tpu.memory_space<vmem>>)
      tpu.yield
    }) : () -> ()
    %dma_start3A_22 = arith.constant 1 : i32
    %dma_start3A_23 = arith.constant 0 : i32
    %dma_start3A_24 = tpu.memref_slice %arg5[%dma_start3A_22, %dma_start3A_23] : memref<2x80xi32, #tpu.memory_space<vmem>> -> memref<1x80xi32, #tpu.memory_space<vmem>>
    %dma_start3A_25 = tpu.memref_squeeze %dma_start3A_24 : memref<1x80xi32, #tpu.memory_space<vmem>> -> memref<80xi32, #tpu.memory_space<vmem>>
    %dma_start3A_26 = arith.constant 0 : i32
    %dma_start3A_27 = arith.constant 0 : i32
    %dma_start3A_28 = tpu.memref_slice %arg2[%dma_start3A_26, %dma_start3A_27] : memref<50000x128xf32, #tpu.memory_space<hbm>> -> memref<50000x128xf32, #tpu.memory_space<hbm>>
    tpu.enqueue_indirect_dma source(%dma_start3A_28 : memref<50000x128xf32, #tpu.memory_space<hbm>>) target(%arg6 : memref<80x128xf32, #tpu.memory_space<vmem>>) offsets(%dma_start3A_25 : memref<80xi32, #tpu.memory_space<vmem>>) semaphore(%arg7 : memref<!tpu.dma_semaphore, #tpu.memory_space<semaphore_mem>>)
    %dma_wait3A_29 = arith.constant 1 : i32
    %dma_wait3A_30 = arith.constant 0 : i32
    %dma_wait3A_31 = tpu.memref_slice %arg5[%dma_wait3A_29, %dma_wait3A_30] : memref<2x80xi32, #tpu.memory_space<vmem>> -> memref<1x80xi32, #tpu.memory_space<vmem>>
    %dma_wait3A_32 = tpu.memref_squeeze %dma_wait3A_31 : memref<1x80xi32, #tpu.memory_space<vmem>> -> memref<80xi32, #tpu.memory_space<vmem>>
    %dma_wait3A_33 = arith.constant 0 : i32
    %dma_wait3A_34 = arith.constant 0 : i32
    %dma_wait3A_35 = tpu.memref_slice %arg2[%dma_wait3A_33, %dma_wait3A_34] : memref<50000x128xf32, #tpu.memory_space<hbm>> -> memref<50000x128xf32, #tpu.memory_space<hbm>>
    tpu.wait_indirect_dma semaphore(%arg7 : memref<!tpu.dma_semaphore, #tpu.memory_space<semaphore_mem>>) src(%dma_wait3A_35 : memref<50000x128xf32, #tpu.memory_space<hbm>>) dst(%arg6 : memref<80x128xf32, #tpu.memory_space<vmem>>)
    %add3A_36 = arith.constant 80 : i32
    %add3A_37 = arith.addi %mul3A_2, %add3A_36 : i32
    "tpu.region"() ({
      %run_scoped3A_38 = tpu.sem_alloc : memref<!tpu.dma_semaphore, #tpu.memory_space<semaphore_mem>>
      %dma_start3A_39 = arith.constant 0 : i32
      %dma_start3A_40 = tpu.memref_slice %arg4[%add3A_37, %dma_start3A_39] : memref<5120x128xf32, #tpu.memory_space<hbm>> -> memref<80x128xf32, #tpu.memory_space<hbm>>
      %dma_start3A_41 = arith.constant 0 : i32
      %dma_start3A_42 = tpu.memref_slice %arg4[%add3A_37, %dma_start3A_41] : memref<5120x128xf32, #tpu.memory_space<hbm>> -> memref<80x128xf32, #tpu.memory_space<hbm>>
      tpu.enqueue_dma source(%arg6 : memref<80x128xf32, #tpu.memory_space<vmem>>) target(%dma_start3A_42 : memref<80x128xf32, #tpu.memory_space<hbm>>) target_semaphore(%run_scoped3A_38 : memref<!tpu.dma_semaphore, #tpu.memory_space<semaphore_mem>>)
      %dma_wait3A_43 = arith.constant 0 : i32
      %dma_wait3A_44 = tpu.memref_slice %arg4[%add3A_37, %dma_wait3A_43] : memref<5120x128xf32, #tpu.memory_space<hbm>> -> memref<80x128xf32, #tpu.memory_space<hbm>>
      %dma_wait3A_45 = arith.constant 0 : i32
      %dma_wait3A_46 = tpu.memref_slice %arg4[%add3A_37, %dma_wait3A_45] : memref<5120x128xf32, #tpu.memory_space<hbm>> -> memref<80x128xf32, #tpu.memory_space<hbm>>
      tpu.wait_dma2 semaphore(%run_scoped3A_38 : memref<!tpu.dma_semaphore, #tpu.memory_space<semaphore_mem>>) src(%arg6 : memref<80x128xf32, #tpu.memory_space<vmem>>) dst(%dma_wait3A_46 : memref<80x128xf32, #tpu.memory_space<hbm>>)
      tpu.yield
    }) : () -> ()
    return
  }
}

#map = affine_map<(d0, d1) -> (0, 0)>
#map1 = affine_map<(d0, d1) -> (0)>
module attributes {stable_mosaic.version = 14 : i64} {
  func.func @sc_gather_wy(%arg0: i32, %arg1: i32, %arg2: memref<50000x128xf32, #tpu.memory_space<hbm>>, %arg3: memref<5120xi32, #tpu.memory_space<hbm>>, %arg4: memref<5120x128xf32, #tpu.memory_space<hbm>>, %arg5: memref<2x80xi32, #tpu.memory_space<vmem>>, %arg6: memref<80x128xf32, #tpu.memory_space<vmem>>, %arg7: memref<!tpu.dma_semaphore, #tpu.memory_space<semaphore_mem>>) attributes {dimension_semantics = [#tpu.dimension_semantics<core_parallel>, #tpu.dimension_semantics<subcore_parallel>], iteration_bounds = array<i64: 2, 16>, scalar_prefetch = 0 : i64, scratch_operands = 3 : i64, tpu.core_type = #tpu.core_type<sc_vector_subcore>, window_params = [{transform_indices = #map}, {transform_indices = #map1}, {transform_indices = #map}]} {
    %mul3A = arith.constant 2 : i32
    %mul3A_0 = arith.muli %arg1, %mul3A : i32
    %add3A = arith.addi %mul3A_0, %arg0 : i32
    %mul3A_1 = arith.constant 160 : i32
    %mul3A_2 = arith.muli %add3A, %mul3A_1 : i32
    %add3A_3 = arith.constant 0 : i32
    %add3A_4 = arith.addi %mul3A_2, %add3A_3 : i32
    %run_scoped3A = arith.constant 0 : i32
    "tpu.region"() ({
      %run_scoped3A_38 = tpu.sem_alloc : memref<!tpu.dma_semaphore, #tpu.memory_space<semaphore_mem>>
      %dma_start3A_39 = arith.constant 0 : i32
      %dma_start3A_40 = tpu.memref_slice %arg5[%run_scoped3A, %dma_start3A_39] : memref<2x80xi32, #tpu.memory_space<vmem>> -> memref<1x80xi32, #tpu.memory_space<vmem>>
      %dma_start3A_41 = tpu.memref_squeeze %dma_start3A_40 : memref<1x80xi32, #tpu.memory_space<vmem>> -> memref<80xi32, #tpu.memory_space<vmem>>
      %dma_start3A_42 = tpu.memref_slice %arg3[%add3A_4] : memref<5120xi32, #tpu.memory_space<hbm>> -> memref<80xi32, #tpu.memory_space<hbm>>
      %dma_start3A_43 = arith.constant 0 : i32
      %dma_start3A_44 = tpu.memref_slice %arg5[%run_scoped3A, %dma_start3A_43] : memref<2x80xi32, #tpu.memory_space<vmem>> -> memref<1x80xi32, #tpu.memory_space<vmem>>
      %dma_start3A_45 = tpu.memref_squeeze %dma_start3A_44 : memref<1x80xi32, #tpu.memory_space<vmem>> -> memref<80xi32, #tpu.memory_space<vmem>>
      %dma_start3A_46 = tpu.memref_slice %arg3[%add3A_4] : memref<5120xi32, #tpu.memory_space<hbm>> -> memref<80xi32, #tpu.memory_space<hbm>>
      tpu.enqueue_dma source(%dma_start3A_46 : memref<80xi32, #tpu.memory_space<hbm>>) target(%dma_start3A_45 : memref<80xi32, #tpu.memory_space<vmem>>) target_semaphore(%run_scoped3A_38 : memref<!tpu.dma_semaphore, #tpu.memory_space<semaphore_mem>>)
      %dma_wait3A_47 = arith.constant 0 : i32
      %dma_wait3A_48 = tpu.memref_slice %arg5[%run_scoped3A, %dma_wait3A_47] : memref<2x80xi32, #tpu.memory_space<vmem>> -> memref<1x80xi32, #tpu.memory_space<vmem>>
      %dma_wait3A_49 = tpu.memref_squeeze %dma_wait3A_48 : memref<1x80xi32, #tpu.memory_space<vmem>> -> memref<80xi32, #tpu.memory_space<vmem>>
      %dma_wait3A_50 = tpu.memref_slice %arg3[%add3A_4] : memref<5120xi32, #tpu.memory_space<hbm>> -> memref<80xi32, #tpu.memory_space<hbm>>
      %dma_wait3A_51 = arith.constant 0 : i32
      %dma_wait3A_52 = tpu.memref_slice %arg5[%run_scoped3A, %dma_wait3A_51] : memref<2x80xi32, #tpu.memory_space<vmem>> -> memref<1x80xi32, #tpu.memory_space<vmem>>
      %dma_wait3A_53 = tpu.memref_squeeze %dma_wait3A_52 : memref<1x80xi32, #tpu.memory_space<vmem>> -> memref<80xi32, #tpu.memory_space<vmem>>
      %dma_wait3A_54 = tpu.memref_slice %arg3[%add3A_4] : memref<5120xi32, #tpu.memory_space<hbm>> -> memref<80xi32, #tpu.memory_space<hbm>>
      tpu.wait_dma2 semaphore(%run_scoped3A_38 : memref<!tpu.dma_semaphore, #tpu.memory_space<semaphore_mem>>) src(%dma_wait3A_54 : memref<80xi32, #tpu.memory_space<hbm>>) dst(%dma_wait3A_53 : memref<80xi32, #tpu.memory_space<vmem>>)
      tpu.yield
    }) : () -> ()
    %dma_start3A = arith.constant 0 : i32
    %dma_start3A_5 = arith.constant 0 : i32
    %dma_start3A_6 = tpu.memref_slice %arg5[%dma_start3A, %dma_start3A_5] : memref<2x80xi32, #tpu.memory_space<vmem>> -> memref<1x80xi32, #tpu.memory_space<vmem>>
    %dma_start3A_7 = tpu.memref_squeeze %dma_start3A_6 : memref<1x80xi32, #tpu.memory_space<vmem>> -> memref<80xi32, #tpu.memory_space<vmem>>
    %dma_start3A_8 = arith.constant 0 : i32
    %dma_start3A_9 = arith.constant 0 : i32
    %dma_start3A_10 = tpu.memref_slice %arg2[%dma_start3A_8, %dma_start3A_9] : memref<50000x128xf32, #tpu.memory_space<hbm>> -> memref<50000x128xf32, #tpu.memory_space<hbm>>
    tpu.enqueue_indirect_dma source(%dma_start3A_10 : memref<50000x128xf32, #tpu.memory_space<hbm>>) target(%arg6 : memref<80x128xf32, #tpu.memory_space<vmem>>) offsets(%dma_start3A_7 : memref<80xi32, #tpu.memory_space<vmem>>) semaphore(%arg7 : memref<!tpu.dma_semaphore, #tpu.memory_space<semaphore_mem>>)
    %dma_wait3A = arith.constant 0 : i32
    %dma_wait3A_11 = arith.constant 0 : i32
    %dma_wait3A_12 = tpu.memref_slice %arg5[%dma_wait3A, %dma_wait3A_11] : memref<2x80xi32, #tpu.memory_space<vmem>> -> memref<1x80xi32, #tpu.memory_space<vmem>>
    %dma_wait3A_13 = tpu.memref_squeeze %dma_wait3A_12 : memref<1x80xi32, #tpu.memory_space<vmem>> -> memref<80xi32, #tpu.memory_space<vmem>>
    %dma_wait3A_14 = arith.constant 0 : i32
    %dma_wait3A_15 = arith.constant 0 : i32
    %dma_wait3A_16 = tpu.memref_slice %arg2[%dma_wait3A_14, %dma_wait3A_15] : memref<50000x128xf32, #tpu.memory_space<hbm>> -> memref<50000x128xf32, #tpu.memory_space<hbm>>
    tpu.wait_indirect_dma semaphore(%arg7 : memref<!tpu.dma_semaphore, #tpu.memory_space<semaphore_mem>>) src(%dma_wait3A_16 : memref<50000x128xf32, #tpu.memory_space<hbm>>) dst(%arg6 : memref<80x128xf32, #tpu.memory_space<vmem>>)
    %add3A_17 = arith.constant 0 : i32
    %add3A_18 = arith.addi %mul3A_2, %add3A_17 : i32
    "tpu.region"() ({
      %run_scoped3A_38 = tpu.sem_alloc : memref<!tpu.dma_semaphore, #tpu.memory_space<semaphore_mem>>
      %dma_start3A_39 = arith.constant 0 : i32
      %dma_start3A_40 = tpu.memref_slice %arg4[%add3A_18, %dma_start3A_39] : memref<5120x128xf32, #tpu.memory_space<hbm>> -> memref<80x128xf32, #tpu.memory_space<hbm>>
      %dma_start3A_41 = arith.constant 0 : i32
      %dma_start3A_42 = tpu.memref_slice %arg4[%add3A_18, %dma_start3A_41] : memref<5120x128xf32, #tpu.memory_space<hbm>> -> memref<80x128xf32, #tpu.memory_space<hbm>>
      tpu.enqueue_dma source(%arg6 : memref<80x128xf32, #tpu.memory_space<vmem>>) target(%dma_start3A_42 : memref<80x128xf32, #tpu.memory_space<hbm>>) target_semaphore(%run_scoped3A_38 : memref<!tpu.dma_semaphore, #tpu.memory_space<semaphore_mem>>)
      %dma_wait3A_43 = arith.constant 0 : i32
      %dma_wait3A_44 = tpu.memref_slice %arg4[%add3A_18, %dma_wait3A_43] : memref<5120x128xf32, #tpu.memory_space<hbm>> -> memref<80x128xf32, #tpu.memory_space<hbm>>
      %dma_wait3A_45 = arith.constant 0 : i32
      %dma_wait3A_46 = tpu.memref_slice %arg4[%add3A_18, %dma_wait3A_45] : memref<5120x128xf32, #tpu.memory_space<hbm>> -> memref<80x128xf32, #tpu.memory_space<hbm>>
      tpu.wait_dma2 semaphore(%run_scoped3A_38 : memref<!tpu.dma_semaphore, #tpu.memory_space<semaphore_mem>>) src(%arg6 : memref<80x128xf32, #tpu.memory_space<vmem>>) dst(%dma_wait3A_46 : memref<80x128xf32, #tpu.memory_space<hbm>>)
      tpu.yield
    }) : () -> ()
    %add3A_19 = arith.constant 80 : i32
    %add3A_20 = arith.addi %mul3A_2, %add3A_19 : i32
    %run_scoped3A_21 = arith.constant 1 : i32
    "tpu.region"() ({
      %run_scoped3A_38 = tpu.sem_alloc : memref<!tpu.dma_semaphore, #tpu.memory_space<semaphore_mem>>
      %dma_start3A_39 = arith.constant 0 : i32
      %dma_start3A_40 = tpu.memref_slice %arg5[%run_scoped3A_21, %dma_start3A_39] : memref<2x80xi32, #tpu.memory_space<vmem>> -> memref<1x80xi32, #tpu.memory_space<vmem>>
      %dma_start3A_41 = tpu.memref_squeeze %dma_start3A_40 : memref<1x80xi32, #tpu.memory_space<vmem>> -> memref<80xi32, #tpu.memory_space<vmem>>
      %dma_start3A_42 = tpu.memref_slice %arg3[%add3A_20] : memref<5120xi32, #tpu.memory_space<hbm>> -> memref<80xi32, #tpu.memory_space<hbm>>
      %dma_start3A_43 = arith.constant 0 : i32
      %dma_start3A_44 = tpu.memref_slice %arg5[%run_scoped3A_21, %dma_start3A_43] : memref<2x80xi32, #tpu.memory_space<vmem>> -> memref<1x80xi32, #tpu.memory_space<vmem>>
      %dma_start3A_45 = tpu.memref_squeeze %dma_start3A_44 : memref<1x80xi32, #tpu.memory_space<vmem>> -> memref<80xi32, #tpu.memory_space<vmem>>
      %dma_start3A_46 = tpu.memref_slice %arg3[%add3A_20] : memref<5120xi32, #tpu.memory_space<hbm>> -> memref<80xi32, #tpu.memory_space<hbm>>
      tpu.enqueue_dma source(%dma_start3A_46 : memref<80xi32, #tpu.memory_space<hbm>>) target(%dma_start3A_45 : memref<80xi32, #tpu.memory_space<vmem>>) target_semaphore(%run_scoped3A_38 : memref<!tpu.dma_semaphore, #tpu.memory_space<semaphore_mem>>)
      %dma_wait3A_47 = arith.constant 0 : i32
      %dma_wait3A_48 = tpu.memref_slice %arg5[%run_scoped3A_21, %dma_wait3A_47] : memref<2x80xi32, #tpu.memory_space<vmem>> -> memref<1x80xi32, #tpu.memory_space<vmem>>
      %dma_wait3A_49 = tpu.memref_squeeze %dma_wait3A_48 : memref<1x80xi32, #tpu.memory_space<vmem>> -> memref<80xi32, #tpu.memory_space<vmem>>
      %dma_wait3A_50 = tpu.memref_slice %arg3[%add3A_20] : memref<5120xi32, #tpu.memory_space<hbm>> -> memref<80xi32, #tpu.memory_space<hbm>>
      %dma_wait3A_51 = arith.constant 0 : i32
      %dma_wait3A_52 = tpu.memref_slice %arg5[%run_scoped3A_21, %dma_wait3A_51] : memref<2x80xi32, #tpu.memory_space<vmem>> -> memref<1x80xi32, #tpu.memory_space<vmem>>
      %dma_wait3A_53 = tpu.memref_squeeze %dma_wait3A_52 : memref<1x80xi32, #tpu.memory_space<vmem>> -> memref<80xi32, #tpu.memory_space<vmem>>
      %dma_wait3A_54 = tpu.memref_slice %arg3[%add3A_20] : memref<5120xi32, #tpu.memory_space<hbm>> -> memref<80xi32, #tpu.memory_space<hbm>>
      tpu.wait_dma2 semaphore(%run_scoped3A_38 : memref<!tpu.dma_semaphore, #tpu.memory_space<semaphore_mem>>) src(%dma_wait3A_54 : memref<80xi32, #tpu.memory_space<hbm>>) dst(%dma_wait3A_53 : memref<80xi32, #tpu.memory_space<vmem>>)
      tpu.yield
    }) : () -> ()
    %dma_start3A_22 = arith.constant 1 : i32
    %dma_start3A_23 = arith.constant 0 : i32
    %dma_start3A_24 = tpu.memref_slice %arg5[%dma_start3A_22, %dma_start3A_23] : memref<2x80xi32, #tpu.memory_space<vmem>> -> memref<1x80xi32, #tpu.memory_space<vmem>>
    %dma_start3A_25 = tpu.memref_squeeze %dma_start3A_24 : memref<1x80xi32, #tpu.memory_space<vmem>> -> memref<80xi32, #tpu.memory_space<vmem>>
    %dma_start3A_26 = arith.constant 0 : i32
    %dma_start3A_27 = arith.constant 0 : i32
    %dma_start3A_28 = tpu.memref_slice %arg2[%dma_start3A_26, %dma_start3A_27] : memref<50000x128xf32, #tpu.memory_space<hbm>> -> memref<50000x128xf32, #tpu.memory_space<hbm>>
    tpu.enqueue_indirect_dma source(%dma_start3A_28 : memref<50000x128xf32, #tpu.memory_space<hbm>>) target(%arg6 : memref<80x128xf32, #tpu.memory_space<vmem>>) offsets(%dma_start3A_25 : memref<80xi32, #tpu.memory_space<vmem>>) semaphore(%arg7 : memref<!tpu.dma_semaphore, #tpu.memory_space<semaphore_mem>>)
    %dma_wait3A_29 = arith.constant 1 : i32
    %dma_wait3A_30 = arith.constant 0 : i32
    %dma_wait3A_31 = tpu.memref_slice %arg5[%dma_wait3A_29, %dma_wait3A_30] : memref<2x80xi32, #tpu.memory_space<vmem>> -> memref<1x80xi32, #tpu.memory_space<vmem>>
    %dma_wait3A_32 = tpu.memref_squeeze %dma_wait3A_31 : memref<1x80xi32, #tpu.memory_space<vmem>> -> memref<80xi32, #tpu.memory_space<vmem>>
    %dma_wait3A_33 = arith.constant 0 : i32
    %dma_wait3A_34 = arith.constant 0 : i32
    %dma_wait3A_35 = tpu.memref_slice %arg2[%dma_wait3A_33, %dma_wait3A_34] : memref<50000x128xf32, #tpu.memory_space<hbm>> -> memref<50000x128xf32, #tpu.memory_space<hbm>>
    tpu.wait_indirect_dma semaphore(%arg7 : memref<!tpu.dma_semaphore, #tpu.memory_space<semaphore_mem>>) src(%dma_wait3A_35 : memref<50000x128xf32, #tpu.memory_space<hbm>>) dst(%arg6 : memref<80x128xf32, #tpu.memory_space<vmem>>)
    %add3A_36 = arith.constant 80 : i32
    %add3A_37 = arith.addi %mul3A_2, %add3A_36 : i32
    "tpu.region"() ({
      %run_scoped3A_38 = tpu.sem_alloc : memref<!tpu.dma_semaphore, #tpu.memory_space<semaphore_mem>>
      %dma_start3A_39 = arith.constant 0 : i32
      %dma_start3A_40 = tpu.memref_slice %arg4[%add3A_37, %dma_start3A_39] : memref<5120x128xf32, #tpu.memory_space<hbm>> -> memref<80x128xf32, #tpu.memory_space<hbm>>
      %dma_start3A_41 = arith.constant 0 : i32
      %dma_start3A_42 = tpu.memref_slice %arg4[%add3A_37, %dma_start3A_41] : memref<5120x128xf32, #tpu.memory_space<hbm>> -> memref<80x128xf32, #tpu.memory_space<hbm>>
      tpu.enqueue_dma source(%arg6 : memref<80x128xf32, #tpu.memory_space<vmem>>) target(%dma_start3A_42 : memref<80x128xf32, #tpu.memory_space<hbm>>) target_semaphore(%run_scoped3A_38 : memref<!tpu.dma_semaphore, #tpu.memory_space<semaphore_mem>>)
      %dma_wait3A_43 = arith.constant 0 : i32
      %dma_wait3A_44 = tpu.memref_slice %arg4[%add3A_37, %dma_wait3A_43] : memref<5120x128xf32, #tpu.memory_space<hbm>> -> memref<80x128xf32, #tpu.memory_space<hbm>>
      %dma_wait3A_45 = arith.constant 0 : i32
      %dma_wait3A_46 = tpu.memref_slice %arg4[%add3A_37, %dma_wait3A_45] : memref<5120x128xf32, #tpu.memory_space<hbm>> -> memref<80x128xf32, #tpu.memory_space<hbm>>
      tpu.wait_dma2 semaphore(%run_scoped3A_38 : memref<!tpu.dma_semaphore, #tpu.memory_space<semaphore_mem>>) src(%arg6 : memref<80x128xf32, #tpu.memory_space<vmem>>) dst(%dma_wait3A_46 : memref<80x128xf32, #tpu.memory_space<hbm>>)
      tpu.yield
    }) : () -> ()
    return
  }
}

module attributes {stable_mosaic.version = 14 : i64} {
  func.func @_sample_body(%arg0: memref<784x128xf32, #tpu.memory_space<vmem>>, %arg1: memref<1024x1xi32, #tpu.memory_space<vmem>>, %arg2: memref<5120x1xi32, #tpu.memory_space<vmem>>, %arg3: memref<1024x1xf32, #tpu.memory_space<vmem>>, %arg4: memref<5120x1xi32, #tpu.memory_space<vmem>>, %arg5: memref<5120x1xi32, #tpu.memory_space<vmem>>, %arg6: memref<5120x1xf32, #tpu.memory_space<vmem>>, %arg7: memref<1x1xf32, #tpu.memory_space<vmem>>) attributes {dimension_semantics = [], scalar_prefetch = 0 : i64, scratch_operands = 0 : i64, tpu.core_type = #tpu.core_type<tc>} {
    %get3A = arith.constant 0 : index
    %get3A_0 = arith.constant 0 : index
    %get3A_1 = vector.load %arg0[%get3A, %get3A_0] : memref<784x128xf32, #tpu.memory_space<vmem>>, vector<784x128xf32>
    %gt3A = arith.constant 0.000000e+00 : f32
    %gt3A_2 = vector.broadcast %gt3A : f32 to vector<784x128xf32>
    %gt3A_3 = arith.cmpf ogt, %get3A_1, %gt3A_2 : vector<784x128xf32>
    %jit3A = arith.constant 1.000000e+00 : f32
    %broadcast_in_dim3A = vector.broadcast %jit3A : f32 to vector<784x128xf32>
    %select_n3A = arith.select %gt3A_3, %get3A_1, %broadcast_in_dim3A : vector<784x128xi1>, vector<784x128xf32>
    %log3A = math.log %select_n3A : vector<784x128xf32>
    %mul3A = arith.constant 7.500000e-01 : f32
    %mul3A_4 = vector.broadcast %mul3A : f32 to vector<784x128xf32>
    %mul3A_5 = arith.mulf %mul3A_4, %log3A : vector<784x128xf32>
    %exp3A = math.exp %mul3A_5 : vector<784x128xf32>
    %jit3A_6 = arith.constant 0.000000e+00 : f32
    %broadcast_in_dim3A_7 = vector.broadcast %jit3A_6 : f32 to vector<784x128xf32>
    %select_n3A_8 = arith.select %gt3A_3, %exp3A, %broadcast_in_dim3A_7 : vector<784x128xi1>, vector<784x128xf32>
    %reduce_sum3A = arith.constant dense<0.000000e+00> : vector<784xf32>
    %reduce_sum3A_9 = vector.multi_reduction <add>, %select_n3A_8, %reduce_sum3A [1] : vector<784x128xf32> to vector<784xf32>
    %broadcast_in_dim3A_10 = vector.shape_cast %reduce_sum3A_9 : vector<784xf32> to vector<784x1xf32>
    %iota3A = tpu.iota {dimensions = array<i32: 0>} : vector<784x784xi32>
    %iota3A_11 = tpu.iota {dimensions = array<i32: 1>} : vector<784x784xi32>
    %le3A = arith.cmpi sle, %iota3A, %iota3A_11 : vector<784x784xi32>
    %convert_element_type3A = arith.extui %le3A : vector<784x784xi1> to vector<784x784xi32>
    %convert_element_type3A_12 = arith.sitofp %convert_element_type3A : vector<784x784xi32> to vector<784x784xf32>
    %mul3A_13 = vector.broadcast %broadcast_in_dim3A_10 : vector<784x1xf32> to vector<784x784xf32>
    %mul3A_14 = arith.mulf %convert_element_type3A_12, %mul3A_13 : vector<784x784xf32>
    %broadcast_in_dim3A_15 = arith.constant 1.000000e+00 : f32
    %broadcast_in_dim3A_16 = vector.broadcast %broadcast_in_dim3A_15 : f32 to vector<1x784xf32>
    %dot_general3A = arith.constant dense<0.000000e+00> : vector<1x784xf32>
    %dot_general3A_17 = tpu.matmul %broadcast_in_dim3A_16, %mul3A_14, %dot_general3A {dimension_numbers = #tpu.dot_dimension_numbers<[1], [0], [0], [1], [0, 0, 1, 1], [], []>, precision = #tpu.contract_precision<fp32>, transpose_lhs_hint = false} : vector<1x784xf32>, vector<784x784xf32>, vector<1x784xf32> -> vector<1x784xf32>
    %slice3A = vector.extract_strided_slice %dot_general3A_17 {offsets = [0, 783], sizes = [1, 1], strides = [1, 1]} : vector<1x784xf32> to vector<1x1xf32>
    %log3A_18 = math.log %slice3A : vector<1x1xf32>
    %iota3A_19 = tpu.iota {dimensions = array<i32: 0>} : vector<128x128xi32>
    %iota3A_20 = tpu.iota {dimensions = array<i32: 1>} : vector<128x128xi32>
    %le3A_21 = arith.cmpi sle, %iota3A_19, %iota3A_20 : vector<128x128xi32>
    %convert_element_type3A_22 = arith.extui %le3A_21 : vector<128x128xi1> to vector<128x128xi32>
    %convert_element_type3A_23 = arith.sitofp %convert_element_type3A_22 : vector<128x128xi32> to vector<128x128xf32>
    %prng_seed3A = arith.constant 24301 : i32
    "tpu.prng_set_seed_32"(%prng_seed3A) : (i32) -> ()
    %prng_random_bits3A = "tpu.prng_random_bits"() : () -> vector<5120x1xi32>
    %shift_right_logical3A = arith.constant 8 : i32
    %shift_right_logical3A_24 = vector.broadcast %shift_right_logical3A : i32 to vector<5120x1xi32>
    %shift_right_logical3A_25 = arith.shrui %prng_random_bits3A, %shift_right_logical3A_24 : vector<5120x1xi32>
    %convert_element_type3A_26 = arith.sitofp %shift_right_logical3A_25 : vector<5120x1xi32> to vector<5120x1xf32>
    %mul3A_27 = arith.constant 5.96046448E-8 : f32
    %mul3A_28 = vector.broadcast %mul3A_27 : f32 to vector<5120x1xf32>
    %mul3A_29 = arith.mulf %convert_element_type3A_26, %mul3A_28 : vector<5120x1xf32>
    %mul3A_30 = vector.broadcast %slice3A : vector<1x1xf32> to vector<5120x1xf32>
    %mul3A_31 = arith.mulf %mul3A_29, %mul3A_30 : vector<5120x1xf32>
    %slice3A_32 = vector.extract_strided_slice %mul3A_31 {offsets = [0, 0], sizes = [640, 1], strides = [1, 1]} : vector<5120x1xf32> to vector<640x1xf32>
    %le3A_33 = vector.broadcast %dot_general3A_17 : vector<1x784xf32> to vector<640x784xf32>
    %le3A_34 = vector.broadcast %slice3A_32 : vector<640x1xf32> to vector<640x784xf32>
    %le3A_35 = arith.cmpf ole, %le3A_33, %le3A_34 : vector<640x784xf32>
    %convert_element_type3A_36 = arith.extui %le3A_35 : vector<640x784xi1> to vector<640x784xi32>
    %convert_element_type3A_37 = arith.sitofp %convert_element_type3A_36 : vector<640x784xi32> to vector<640x784xf32>
    %reduce_sum3A_38 = arith.constant dense<0.000000e+00> : vector<640xf32>
    %reduce_sum3A_39 = vector.multi_reduction <add>, %convert_element_type3A_37, %reduce_sum3A_38 [1] : vector<640x784xf32> to vector<640xf32>
    %broadcast_in_dim3A_40 = vector.shape_cast %reduce_sum3A_39 : vector<640xf32> to vector<640x1xf32>
    %convert_element_type3A_41 = arith.fptosi %broadcast_in_dim3A_40 : vector<640x1xf32> to vector<640x1xi32>
    %min3A = arith.constant 781 : i32
    %min3A_42 = vector.broadcast %min3A : i32 to vector<640x1xi32>
    %min3A_43 = arith.minsi %convert_element_type3A_41, %min3A_42 : vector<640x1xi32>
    %jit3A_44 = arith.constant 0.000000e+00 : f32
    %broadcast_in_dim3A_45 = vector.shape_cast %dot_general3A_17 : vector<1x784xf32> to vector<1x784xf32>
    %broadcast_in_dim3A_46 = vector.broadcast %broadcast_in_dim3A_45 : vector<1x784xf32> to vector<640x784xf32>
    %broadcast_in_dim3A_47 = vector.broadcast %jit3A_44 : f32 to vector<640x784xf32>
    %select_n3A_48 = arith.select %le3A_35, %broadcast_in_dim3A_46, %broadcast_in_dim3A_47 : vector<640x784xi1>, vector<640x784xf32>
    %reduce_max3A = arith.constant dense<0xFF800000> : vector<640xf32>
    %reduce_max3A_49 = vector.multi_reduction <maximumf>, %select_n3A_48, %reduce_max3A [1] : vector<640x784xf32> to vector<640xf32>
    %broadcast_in_dim3A_50 = vector.shape_cast %reduce_max3A_49 : vector<640xf32> to vector<640x1xf32>
    %iota3A_51 = tpu.iota {dimensions = array<i32: 1>} : vector<640x784xi32>
    %eq3A = vector.broadcast %min3A_43 : vector<640x1xi32> to vector<640x784xi32>
    %eq3A_52 = arith.cmpi eq, %iota3A_51, %eq3A : vector<640x784xi32>
    %convert_element_type3A_53 = arith.extui %eq3A_52 : vector<640x784xi1> to vector<640x784xi32>
    %convert_element_type3A_54 = arith.sitofp %convert_element_type3A_53 : vector<640x784xi32> to vector<640x784xf32>
    %dot_general3A_55 = arith.constant dense<0.000000e+00> : vector<640x128xf32>
    %dot_general3A_56 = tpu.matmul %convert_element_type3A_54, %select_n3A_8, %dot_general3A_55 {dimension_numbers = #tpu.dot_dimension_numbers<[1], [0], [0], [1], [0, 0, 1, 1], [], []>, transpose_lhs_hint = false} : vector<640x784xf32>, vector<784x128xf32>, vector<640x128xf32> -> vector<640x128xf32>
    %sub3A = arith.subf %slice3A_32, %broadcast_in_dim3A_50 : vector<640x1xf32>
    %dot_general3A_57 = arith.constant dense<0.000000e+00> : vector<640x128xf32>
    %dot_general3A_58 = tpu.matmul %dot_general3A_56, %convert_element_type3A_23, %dot_general3A_57 {dimension_numbers = #tpu.dot_dimension_numbers<[1], [0], [0], [1], [0, 0, 1, 1], [], []>, transpose_lhs_hint = false} : vector<640x128xf32>, vector<128x128xf32>, vector<640x128xf32> -> vector<640x128xf32>
    %le3A_59 = vector.broadcast %sub3A : vector<640x1xf32> to vector<640x128xf32>
    %le3A_60 = arith.cmpf ole, %dot_general3A_58, %le3A_59 : vector<640x128xf32>
    %convert_element_type3A_61 = arith.extui %le3A_60 : vector<640x128xi1> to vector<640x128xi32>
    %convert_element_type3A_62 = arith.sitofp %convert_element_type3A_61 : vector<640x128xi32> to vector<640x128xf32>
    %reduce_sum3A_63 = arith.constant dense<0.000000e+00> : vector<640xf32>
    %reduce_sum3A_64 = vector.multi_reduction <add>, %convert_element_type3A_62, %reduce_sum3A_63 [1] : vector<640x128xf32> to vector<640xf32>
    %broadcast_in_dim3A_65 = vector.shape_cast %reduce_sum3A_64 : vector<640xf32> to vector<640x1xf32>
    %convert_element_type3A_66 = arith.fptosi %broadcast_in_dim3A_65 : vector<640x1xf32> to vector<640x1xi32>
    %gt3A_67 = arith.constant 0.000000e+00 : f32
    %gt3A_68 = vector.broadcast %gt3A_67 : f32 to vector<640x128xf32>
    %gt3A_69 = arith.cmpf ogt, %dot_general3A_56, %gt3A_68 : vector<640x128xf32>
    %convert_element_type3A_70 = arith.extui %gt3A_69 : vector<640x128xi1> to vector<640x128xi32>
    %convert_element_type3A_71 = arith.sitofp %convert_element_type3A_70 : vector<640x128xi32> to vector<640x128xf32>
    %reduce_sum3A_72 = arith.constant dense<0.000000e+00> : vector<640xf32>
    %reduce_sum3A_73 = vector.multi_reduction <add>, %convert_element_type3A_71, %reduce_sum3A_72 [1] : vector<640x128xf32> to vector<640xf32>
    %broadcast_in_dim3A_74 = vector.shape_cast %reduce_sum3A_73 : vector<640xf32> to vector<640x1xf32>
    %convert_element_type3A_75 = arith.fptosi %broadcast_in_dim3A_74 : vector<640x1xf32> to vector<640x1xi32>
    %sub3A_76 = arith.constant 1 : i32
    %sub3A_77 = vector.broadcast %sub3A_76 : i32 to vector<640x1xi32>
    %sub3A_78 = arith.subi %convert_element_type3A_75, %sub3A_77 : vector<640x1xi32>
    %min3A_79 = arith.minsi %convert_element_type3A_66, %sub3A_78 : vector<640x1xi32>
    %iota3A_80 = tpu.iota {dimensions = array<i32: 1>} : vector<640x128xi32>
    %eq3A_81 = vector.broadcast %min3A_79 : vector<640x1xi32> to vector<640x128xi32>
    %eq3A_82 = arith.cmpi eq, %iota3A_80, %eq3A_81 : vector<640x128xi32>
    %convert_element_type3A_83 = arith.extui %eq3A_82 : vector<640x128xi1> to vector<640x128xi32>
    %convert_element_type3A_84 = arith.sitofp %convert_element_type3A_83 : vector<640x128xi32> to vector<640x128xf32>
    %mul3A_85 = arith.mulf %dot_general3A_56, %convert_element_type3A_84 : vector<640x128xf32>
    %reduce_sum3A_86 = arith.constant dense<0.000000e+00> : vector<640xf32>
    %reduce_sum3A_87 = vector.multi_reduction <add>, %mul3A_85, %reduce_sum3A_86 [1] : vector<640x128xf32> to vector<640xf32>
    %broadcast_in_dim3A_88 = vector.shape_cast %reduce_sum3A_87 : vector<640xf32> to vector<640x1xf32>
    %mul3A_89 = arith.constant 128 : i32
    %mul3A_90 = vector.broadcast %mul3A_89 : i32 to vector<640x1xi32>
    %mul3A_91 = arith.muli %min3A_43, %mul3A_90 : vector<640x1xi32>
    %add3A = arith.addi %mul3A_91, %min3A_79 : vector<640x1xi32>
    %min3A_92 = arith.constant 99999 : i32
    %min3A_93 = vector.broadcast %min3A_92 : i32 to vector<640x1xi32>
    %min3A_94 = arith.minsi %add3A, %min3A_93 : vector<640x1xi32>
    %slice3A_95 = vector.extract_strided_slice %min3A_94 {offsets = [639, 0], sizes = [1, 1], strides = [1, 1]} : vector<640x1xi32> to vector<1x1xi32>
    %slice3A_96 = vector.extract_strided_slice %min3A_94 {offsets = [0, 0], sizes = [639, 1], strides = [1, 1]} : vector<640x1xi32> to vector<639x1xi32>
    %concatenate3A = tpu.concatenate %slice3A_95, %slice3A_96 in 0 : vector<1x1xi32>, vector<639x1xi32> -> vector<640x1xi32>
    %slice3A_97 = vector.extract_strided_slice %broadcast_in_dim3A_88 {offsets = [639, 0], sizes = [1, 1], strides = [1, 1]} : vector<640x1xf32> to vector<1x1xf32>
    %slice3A_98 = vector.extract_strided_slice %broadcast_in_dim3A_88 {offsets = [0, 0], sizes = [639, 1], strides = [1, 1]} : vector<640x1xf32> to vector<639x1xf32>
    %concatenate3A_99 = tpu.concatenate %slice3A_97, %slice3A_98 in 0 : vector<1x1xf32>, vector<639x1xf32> -> vector<640x1xf32>
    %get3A_100 = arith.constant 0 : index
    %get3A_101 = arith.constant 0 : index
    %get3A_102 = vector.load %arg2[%get3A_100, %get3A_101] : memref<5120x1xi32, #tpu.memory_space<vmem>>, vector<640x1xi32>
    %eq3A_103 = arith.cmpi eq, %min3A_94, %get3A_102 : vector<640x1xi32>
    %select_n3A_104 = arith.select %eq3A_103, %concatenate3A, %min3A_94 : vector<640x1xi1>, vector<640x1xi32>
    %select_n3A_105 = arith.select %eq3A_103, %concatenate3A_99, %broadcast_in_dim3A_88 : vector<640x1xi1>, vector<640x1xf32>
    %shift_right_arithmetic3A = arith.constant 1 : i32
    %shift_right_arithmetic3A_106 = vector.broadcast %shift_right_arithmetic3A : i32 to vector<640x1xi32>
    %shift_right_arithmetic3A_107 = arith.shrsi %select_n3A_104, %shift_right_arithmetic3A_106 : vector<640x1xi32>
    %swap3A = arith.constant 0 : index
    %swap3A_108 = arith.constant 0 : index
    %swap3A_109 = vector.load %arg4[%swap3A, %swap3A_108] : memref<5120x1xi32, #tpu.memory_space<vmem>>, vector<640x1xi32>
    tpu.vector_store %arg4[%swap3A, %swap3A_108], %shift_right_arithmetic3A_107 {strides = array<i32>} : memref<5120x1xi32, #tpu.memory_space<vmem>>, vector<640x1xi32>,
    %and3A = arith.constant 1 : i32
    %and3A_110 = vector.broadcast %and3A : i32 to vector<640x1xi32>
    %and3A_111 = arith.andi %select_n3A_104, %and3A_110 : vector<640x1xi32>
    %swap3A_112 = arith.constant 0 : index
    %swap3A_113 = arith.constant 0 : index
    %swap3A_114 = vector.load %arg5[%swap3A_112, %swap3A_113] : memref<5120x1xi32, #tpu.memory_space<vmem>>, vector<640x1xi32>
    tpu.vector_store %arg5[%swap3A_112, %swap3A_113], %and3A_111 {strides = array<i32>} : memref<5120x1xi32, #tpu.memory_space<vmem>>, vector<640x1xi32>,
    %max3A = arith.constant 1.000000e-30 : f32
    %max3A_115 = vector.broadcast %max3A : f32 to vector<640x1xf32>
    %max3A_116 = arith.maximumf %select_n3A_105, %max3A_115 : vector<640x1xf32>
    %log3A_117 = math.log %max3A_116 : vector<640x1xf32>
    %sub3A_118 = vector.broadcast %log3A_18 : vector<1x1xf32> to vector<640x1xf32>
    %sub3A_119 = arith.subf %log3A_117, %sub3A_118 : vector<640x1xf32>
    %swap3A_120 = arith.constant 0 : index
    %swap3A_121 = arith.constant 0 : index
    %swap3A_122 = vector.load %arg6[%swap3A_120, %swap3A_121] : memref<5120x1xf32, #tpu.memory_space<vmem>>, vector<640x1xf32>
    tpu.vector_store %arg6[%swap3A_120, %swap3A_121], %sub3A_119 {strides = array<i32>} : memref<5120x1xf32, #tpu.memory_space<vmem>>, vector<640x1xf32>,
    %slice3A_123 = vector.extract_strided_slice %mul3A_31 {offsets = [640, 0], sizes = [640, 1], strides = [1, 1]} : vector<5120x1xf32> to vector<640x1xf32>
    %le3A_124 = vector.broadcast %dot_general3A_17 : vector<1x784xf32> to vector<640x784xf32>
    %le3A_125 = vector.broadcast %slice3A_123 : vector<640x1xf32> to vector<640x784xf32>
    %le3A_126 = arith.cmpf ole, %le3A_124, %le3A_125 : vector<640x784xf32>
    %convert_element_type3A_127 = arith.extui %le3A_126 : vector<640x784xi1> to vector<640x784xi32>
    %convert_element_type3A_128 = arith.sitofp %convert_element_type3A_127 : vector<640x784xi32> to vector<640x784xf32>
    %reduce_sum3A_129 = arith.constant dense<0.000000e+00> : vector<640xf32>
    %reduce_sum3A_130 = vector.multi_reduction <add>, %convert_element_type3A_128, %reduce_sum3A_129 [1] : vector<640x784xf32> to vector<640xf32>
    %broadcast_in_dim3A_131 = vector.shape_cast %reduce_sum3A_130 : vector<640xf32> to vector<640x1xf32>
    %convert_element_type3A_132 = arith.fptosi %broadcast_in_dim3A_131 : vector<640x1xf32> to vector<640x1xi32>
    %min3A_133 = arith.constant 781 : i32
    %min3A_134 = vector.broadcast %min3A_133 : i32 to vector<640x1xi32>
    %min3A_135 = arith.minsi %convert_element_type3A_132, %min3A_134 : vector<640x1xi32>
    %jit3A_136 = arith.constant 0.000000e+00 : f32
    %broadcast_in_dim3A_137 = vector.shape_cast %dot_general3A_17 : vector<1x784xf32> to vector<1x784xf32>
    %broadcast_in_dim3A_138 = vector.broadcast %broadcast_in_dim3A_137 : vector<1x784xf32> to vector<640x784xf32>
    %broadcast_in_dim3A_139 = vector.broadcast %jit3A_136 : f32 to vector<640x784xf32>
    %select_n3A_140 = arith.select %le3A_126, %broadcast_in_dim3A_138, %broadcast_in_dim3A_139 : vector<640x784xi1>, vector<640x784xf32>
    %reduce_max3A_141 = arith.constant dense<0xFF800000> : vector<640xf32>
    %reduce_max3A_142 = vector.multi_reduction <maximumf>, %select_n3A_140, %reduce_max3A_141 [1] : vector<640x784xf32> to vector<640xf32>
    %broadcast_in_dim3A_143 = vector.shape_cast %reduce_max3A_142 : vector<640xf32> to vector<640x1xf32>
    %iota3A_144 = tpu.iota {dimensions = array<i32: 1>} : vector<640x784xi32>
    %eq3A_145 = vector.broadcast %min3A_135 : vector<640x1xi32> to vector<640x784xi32>
    %eq3A_146 = arith.cmpi eq, %iota3A_144, %eq3A_145 : vector<640x784xi32>
    %convert_element_type3A_147 = arith.extui %eq3A_146 : vector<640x784xi1> to vector<640x784xi32>
    %convert_element_type3A_148 = arith.sitofp %convert_element_type3A_147 : vector<640x784xi32> to vector<640x784xf32>
    %dot_general3A_149 = arith.constant dense<0.000000e+00> : vector<640x128xf32>
    %dot_general3A_150 = tpu.matmul %convert_element_type3A_148, %select_n3A_8, %dot_general3A_149 {dimension_numbers = #tpu.dot_dimension_numbers<[1], [0], [0], [1], [0, 0, 1, 1], [], []>, transpose_lhs_hint = false} : vector<640x784xf32>, vector<784x128xf32>, vector<640x128xf32> -> vector<640x128xf32>
    %sub3A_151 = arith.subf %slice3A_123, %broadcast_in_dim3A_143 : vector<640x1xf32>
    %dot_general3A_152 = arith.constant dense<0.000000e+00> : vector<640x128xf32>
    %dot_general3A_153 = tpu.matmul %dot_general3A_150, %convert_element_type3A_23, %dot_general3A_152 {dimension_numbers = #tpu.dot_dimension_numbers<[1], [0], [0], [1], [0, 0, 1, 1], [], []>, transpose_lhs_hint = false} : vector<640x128xf32>, vector<128x128xf32>, vector<640x128xf32> -> vector<640x128xf32>
    %le3A_154 = vector.broadcast %sub3A_151 : vector<640x1xf32> to vector<640x128xf32>
    %le3A_155 = arith.cmpf ole, %dot_general3A_153, %le3A_154 : vector<640x128xf32>
    %convert_element_type3A_156 = arith.extui %le3A_155 : vector<640x128xi1> to vector<640x128xi32>
    %convert_element_type3A_157 = arith.sitofp %convert_element_type3A_156 : vector<640x128xi32> to vector<640x128xf32>
    %reduce_sum3A_158 = arith.constant dense<0.000000e+00> : vector<640xf32>
    %reduce_sum3A_159 = vector.multi_reduction <add>, %convert_element_type3A_157, %reduce_sum3A_158 [1] : vector<640x128xf32> to vector<640xf32>
    %broadcast_in_dim3A_160 = vector.shape_cast %reduce_sum3A_159 : vector<640xf32> to vector<640x1xf32>
    %convert_element_type3A_161 = arith.fptosi %broadcast_in_dim3A_160 : vector<640x1xf32> to vector<640x1xi32>
    %gt3A_162 = arith.constant 0.000000e+00 : f32
    %gt3A_163 = vector.broadcast %gt3A_162 : f32 to vector<640x128xf32>
    %gt3A_164 = arith.cmpf ogt, %dot_general3A_150, %gt3A_163 : vector<640x128xf32>
    %convert_element_type3A_165 = arith.extui %gt3A_164 : vector<640x128xi1> to vector<640x128xi32>
    %convert_element_type3A_166 = arith.sitofp %convert_element_type3A_165 : vector<640x128xi32> to vector<640x128xf32>
    %reduce_sum3A_167 = arith.constant dense<0.000000e+00> : vector<640xf32>
    %reduce_sum3A_168 = vector.multi_reduction <add>, %convert_element_type3A_166, %reduce_sum3A_167 [1] : vector<640x128xf32> to vector<640xf32>
    %broadcast_in_dim3A_169 = vector.shape_cast %reduce_sum3A_168 : vector<640xf32> to vector<640x1xf32>
    %convert_element_type3A_170 = arith.fptosi %broadcast_in_dim3A_169 : vector<640x1xf32> to vector<640x1xi32>
    %sub3A_171 = arith.constant 1 : i32
    %sub3A_172 = vector.broadcast %sub3A_171 : i32 to vector<640x1xi32>
    %sub3A_173 = arith.subi %convert_element_type3A_170, %sub3A_172 : vector<640x1xi32>
    %min3A_174 = arith.minsi %convert_element_type3A_161, %sub3A_173 : vector<640x1xi32>
    %iota3A_175 = tpu.iota {dimensions = array<i32: 1>} : vector<640x128xi32>
    %eq3A_176 = vector.broadcast %min3A_174 : vector<640x1xi32> to vector<640x128xi32>
    %eq3A_177 = arith.cmpi eq, %iota3A_175, %eq3A_176 : vector<640x128xi32>
    %convert_element_type3A_178 = arith.extui %eq3A_177 : vector<640x128xi1> to vector<640x128xi32>
    %convert_element_type3A_179 = arith.sitofp %convert_element_type3A_178 : vector<640x128xi32> to vector<640x128xf32>
    %mul3A_180 = arith.mulf %dot_general3A_150, %convert_element_type3A_179 : vector<640x128xf32>
    %reduce_sum3A_181 = arith.constant dense<0.000000e+00> : vector<640xf32>
    %reduce_sum3A_182 = vector.multi_reduction <add>, %mul3A_180, %reduce_sum3A_181 [1] : vector<640x128xf32> to vector<640xf32>
    %broadcast_in_dim3A_183 = vector.shape_cast %reduce_sum3A_182 : vector<640xf32> to vector<640x1xf32>
    %mul3A_184 = arith.constant 128 : i32
    %mul3A_185 = vector.broadcast %mul3A_184 : i32 to vector<640x1xi32>
    %mul3A_186 = arith.muli %min3A_135, %mul3A_185 : vector<640x1xi32>
    %add3A_187 = arith.addi %mul3A_186, %min3A_174 : vector<640x1xi32>
    %min3A_188 = arith.constant 99999 : i32
    %min3A_189 = vector.broadcast %min3A_188 : i32 to vector<640x1xi32>
    %min3A_190 = arith.minsi %add3A_187, %min3A_189 : vector<640x1xi32>
    %slice3A_191 = vector.extract_strided_slice %min3A_190 {offsets = [639, 0], sizes = [1, 1], strides = [1, 1]} : vector<640x1xi32> to vector<1x1xi32>
    %slice3A_192 = vector.extract_strided_slice %min3A_190 {offsets = [0, 0], sizes = [639, 1], strides = [1, 1]} : vector<640x1xi32> to vector<639x1xi32>
    %concatenate3A_193 = tpu.concatenate %slice3A_191, %slice3A_192 in 0 : vector<1x1xi32>, vector<639x1xi32> -> vector<640x1xi32>
    %slice3A_194 = vector.extract_strided_slice %broadcast_in_dim3A_183 {offsets = [639, 0], sizes = [1, 1], strides = [1, 1]} : vector<640x1xf32> to vector<1x1xf32>
    %slice3A_195 = vector.extract_strided_slice %broadcast_in_dim3A_183 {offsets = [0, 0], sizes = [639, 1], strides = [1, 1]} : vector<640x1xf32> to vector<639x1xf32>
    %concatenate3A_196 = tpu.concatenate %slice3A_194, %slice3A_195 in 0 : vector<1x1xf32>, vector<639x1xf32> -> vector<640x1xf32>
    %get3A_197 = arith.constant 640 : index
    %get3A_198 = arith.constant 0 : index
    %get3A_199 = vector.load %arg2[%get3A_197, %get3A_198] : memref<5120x1xi32, #tpu.memory_space<vmem>>, vector<640x1xi32>
    %eq3A_200 = arith.cmpi eq, %min3A_190, %get3A_199 : vector<640x1xi32>
    %select_n3A_201 = arith.select %eq3A_200, %concatenate3A_193, %min3A_190 : vector<640x1xi1>, vector<640x1xi32>
    %select_n3A_202 = arith.select %eq3A_200, %concatenate3A_196, %broadcast_in_dim3A_183 : vector<640x1xi1>, vector<640x1xf32>
    %shift_right_arithmetic3A_203 = arith.constant 1 : i32
    %shift_right_arithmetic3A_204 = vector.broadcast %shift_right_arithmetic3A_203 : i32 to vector<640x1xi32>
    %shift_right_arithmetic3A_205 = arith.shrsi %select_n3A_201, %shift_right_arithmetic3A_204 : vector<640x1xi32>
    %swap3A_206 = arith.constant 640 : index
    %swap3A_207 = arith.constant 0 : index
    %swap3A_208 = vector.load %arg4[%swap3A_206, %swap3A_207] : memref<5120x1xi32, #tpu.memory_space<vmem>>, vector<640x1xi32>
    tpu.vector_store %arg4[%swap3A_206, %swap3A_207], %shift_right_arithmetic3A_205 {strides = array<i32>} : memref<5120x1xi32, #tpu.memory_space<vmem>>, vector<640x1xi32>,
    %and3A_209 = arith.constant 1 : i32
    %and3A_210 = vector.broadcast %and3A_209 : i32 to vector<640x1xi32>
    %and3A_211 = arith.andi %select_n3A_201, %and3A_210 : vector<640x1xi32>
    %swap3A_212 = arith.constant 640 : index
    %swap3A_213 = arith.constant 0 : index
    %swap3A_214 = vector.load %arg5[%swap3A_212, %swap3A_213] : memref<5120x1xi32, #tpu.memory_space<vmem>>, vector<640x1xi32>
    tpu.vector_store %arg5[%swap3A_212, %swap3A_213], %and3A_211 {strides = array<i32>} : memref<5120x1xi32, #tpu.memory_space<vmem>>, vector<640x1xi32>,
    %max3A_215 = arith.constant 1.000000e-30 : f32
    %max3A_216 = vector.broadcast %max3A_215 : f32 to vector<640x1xf32>
    %max3A_217 = arith.maximumf %select_n3A_202, %max3A_216 : vector<640x1xf32>
    %log3A_218 = math.log %max3A_217 : vector<640x1xf32>
    %sub3A_219 = vector.broadcast %log3A_18 : vector<1x1xf32> to vector<640x1xf32>
    %sub3A_220 = arith.subf %log3A_218, %sub3A_219 : vector<640x1xf32>
    %swap3A_221 = arith.constant 640 : index
    %swap3A_222 = arith.constant 0 : index
    %swap3A_223 = vector.load %arg6[%swap3A_221, %swap3A_222] : memref<5120x1xf32, #tpu.memory_space<vmem>>, vector<640x1xf32>
    tpu.vector_store %arg6[%swap3A_221, %swap3A_222], %sub3A_220 {strides = array<i32>} : memref<5120x1xf32, #tpu.memory_space<vmem>>, vector<640x1xf32>,
    %slice3A_224 = vector.extract_strided_slice %mul3A_31 {offsets = [1280, 0], sizes = [640, 1], strides = [1, 1]} : vector<5120x1xf32> to vector<640x1xf32>
    %le3A_225 = vector.broadcast %dot_general3A_17 : vector<1x784xf32> to vector<640x784xf32>
    %le3A_226 = vector.broadcast %slice3A_224 : vector<640x1xf32> to vector<640x784xf32>
    %le3A_227 = arith.cmpf ole, %le3A_225, %le3A_226 : vector<640x784xf32>
    %convert_element_type3A_228 = arith.extui %le3A_227 : vector<640x784xi1> to vector<640x784xi32>
    %convert_element_type3A_229 = arith.sitofp %convert_element_type3A_228 : vector<640x784xi32> to vector<640x784xf32>
    %reduce_sum3A_230 = arith.constant dense<0.000000e+00> : vector<640xf32>
    %reduce_sum3A_231 = vector.multi_reduction <add>, %convert_element_type3A_229, %reduce_sum3A_230 [1] : vector<640x784xf32> to vector<640xf32>
    %broadcast_in_dim3A_232 = vector.shape_cast %reduce_sum3A_231 : vector<640xf32> to vector<640x1xf32>
    %convert_element_type3A_233 = arith.fptosi %broadcast_in_dim3A_232 : vector<640x1xf32> to vector<640x1xi32>
    %min3A_234 = arith.constant 781 : i32
    %min3A_235 = vector.broadcast %min3A_234 : i32 to vector<640x1xi32>
    %min3A_236 = arith.minsi %convert_element_type3A_233, %min3A_235 : vector<640x1xi32>
    %jit3A_237 = arith.constant 0.000000e+00 : f32
    %broadcast_in_dim3A_238 = vector.shape_cast %dot_general3A_17 : vector<1x784xf32> to vector<1x784xf32>
    %broadcast_in_dim3A_239 = vector.broadcast %broadcast_in_dim3A_238 : vector<1x784xf32> to vector<640x784xf32>
    %broadcast_in_dim3A_240 = vector.broadcast %jit3A_237 : f32 to vector<640x784xf32>
    %select_n3A_241 = arith.select %le3A_227, %broadcast_in_dim3A_239, %broadcast_in_dim3A_240 : vector<640x784xi1>, vector<640x784xf32>
    %reduce_max3A_242 = arith.constant dense<0xFF800000> : vector<640xf32>
    %reduce_max3A_243 = vector.multi_reduction <maximumf>, %select_n3A_241, %reduce_max3A_242 [1] : vector<640x784xf32> to vector<640xf32>
    %broadcast_in_dim3A_244 = vector.shape_cast %reduce_max3A_243 : vector<640xf32> to vector<640x1xf32>
    %iota3A_245 = tpu.iota {dimensions = array<i32: 1>} : vector<640x784xi32>
    %eq3A_246 = vector.broadcast %min3A_236 : vector<640x1xi32> to vector<640x784xi32>
    %eq3A_247 = arith.cmpi eq, %iota3A_245, %eq3A_246 : vector<640x784xi32>
    %convert_element_type3A_248 = arith.extui %eq3A_247 : vector<640x784xi1> to vector<640x784xi32>
    %convert_element_type3A_249 = arith.sitofp %convert_element_type3A_248 : vector<640x784xi32> to vector<640x784xf32>
    %dot_general3A_250 = arith.constant dense<0.000000e+00> : vector<640x128xf32>
    %dot_general3A_251 = tpu.matmul %convert_element_type3A_249, %select_n3A_8, %dot_general3A_250 {dimension_numbers = #tpu.dot_dimension_numbers<[1], [0], [0], [1], [0, 0, 1, 1], [], []>, transpose_lhs_hint = false} : vector<640x784xf32>, vector<784x128xf32>, vector<640x128xf32> -> vector<640x128xf32>
    %sub3A_252 = arith.subf %slice3A_224, %broadcast_in_dim3A_244 : vector<640x1xf32>
    %dot_general3A_253 = arith.constant dense<0.000000e+00> : vector<640x128xf32>
    %dot_general3A_254 = tpu.matmul %dot_general3A_251, %convert_element_type3A_23, %dot_general3A_253 {dimension_numbers = #tpu.dot_dimension_numbers<[1], [0], [0], [1], [0, 0, 1, 1], [], []>, transpose_lhs_hint = false} : vector<640x128xf32>, vector<128x128xf32>, vector<640x128xf32> -> vector<640x128xf32>
    %le3A_255 = vector.broadcast %sub3A_252 : vector<640x1xf32> to vector<640x128xf32>
    %le3A_256 = arith.cmpf ole, %dot_general3A_254, %le3A_255 : vector<640x128xf32>
    %convert_element_type3A_257 = arith.extui %le3A_256 : vector<640x128xi1> to vector<640x128xi32>
    %convert_element_type3A_258 = arith.sitofp %convert_element_type3A_257 : vector<640x128xi32> to vector<640x128xf32>
    %reduce_sum3A_259 = arith.constant dense<0.000000e+00> : vector<640xf32>
    %reduce_sum3A_260 = vector.multi_reduction <add>, %convert_element_type3A_258, %reduce_sum3A_259 [1] : vector<640x128xf32> to vector<640xf32>
    %broadcast_in_dim3A_261 = vector.shape_cast %reduce_sum3A_260 : vector<640xf32> to vector<640x1xf32>
    %convert_element_type3A_262 = arith.fptosi %broadcast_in_dim3A_261 : vector<640x1xf32> to vector<640x1xi32>
    %gt3A_263 = arith.constant 0.000000e+00 : f32
    %gt3A_264 = vector.broadcast %gt3A_263 : f32 to vector<640x128xf32>
    %gt3A_265 = arith.cmpf ogt, %dot_general3A_251, %gt3A_264 : vector<640x128xf32>
    %convert_element_type3A_266 = arith.extui %gt3A_265 : vector<640x128xi1> to vector<640x128xi32>
    %convert_element_type3A_267 = arith.sitofp %convert_element_type3A_266 : vector<640x128xi32> to vector<640x128xf32>
    %reduce_sum3A_268 = arith.constant dense<0.000000e+00> : vector<640xf32>
    %reduce_sum3A_269 = vector.multi_reduction <add>, %convert_element_type3A_267, %reduce_sum3A_268 [1] : vector<640x128xf32> to vector<640xf32>
    %broadcast_in_dim3A_270 = vector.shape_cast %reduce_sum3A_269 : vector<640xf32> to vector<640x1xf32>
    %convert_element_type3A_271 = arith.fptosi %broadcast_in_dim3A_270 : vector<640x1xf32> to vector<640x1xi32>
    %sub3A_272 = arith.constant 1 : i32
    %sub3A_273 = vector.broadcast %sub3A_272 : i32 to vector<640x1xi32>
    %sub3A_274 = arith.subi %convert_element_type3A_271, %sub3A_273 : vector<640x1xi32>
    %min3A_275 = arith.minsi %convert_element_type3A_262, %sub3A_274 : vector<640x1xi32>
    %iota3A_276 = tpu.iota {dimensions = array<i32: 1>} : vector<640x128xi32>
    %eq3A_277 = vector.broadcast %min3A_275 : vector<640x1xi32> to vector<640x128xi32>
    %eq3A_278 = arith.cmpi eq, %iota3A_276, %eq3A_277 : vector<640x128xi32>
    %convert_element_type3A_279 = arith.extui %eq3A_278 : vector<640x128xi1> to vector<640x128xi32>
    %convert_element_type3A_280 = arith.sitofp %convert_element_type3A_279 : vector<640x128xi32> to vector<640x128xf32>
    %mul3A_281 = arith.mulf %dot_general3A_251, %convert_element_type3A_280 : vector<640x128xf32>
    %reduce_sum3A_282 = arith.constant dense<0.000000e+00> : vector<640xf32>
    %reduce_sum3A_283 = vector.multi_reduction <add>, %mul3A_281, %reduce_sum3A_282 [1] : vector<640x128xf32> to vector<640xf32>
    %broadcast_in_dim3A_284 = vector.shape_cast %reduce_sum3A_283 : vector<640xf32> to vector<640x1xf32>
    %mul3A_285 = arith.constant 128 : i32
    %mul3A_286 = vector.broadcast %mul3A_285 : i32 to vector<640x1xi32>
    %mul3A_287 = arith.muli %min3A_236, %mul3A_286 : vector<640x1xi32>
    %add3A_288 = arith.addi %mul3A_287, %min3A_275 : vector<640x1xi32>
    %min3A_289 = arith.constant 99999 : i32
    %min3A_290 = vector.broadcast %min3A_289 : i32 to vector<640x1xi32>
    %min3A_291 = arith.minsi %add3A_288, %min3A_290 : vector<640x1xi32>
    %slice3A_292 = vector.extract_strided_slice %min3A_291 {offsets = [639, 0], sizes = [1, 1], strides = [1, 1]} : vector<640x1xi32> to vector<1x1xi32>
    %slice3A_293 = vector.extract_strided_slice %min3A_291 {offsets = [0, 0], sizes = [639, 1], strides = [1, 1]} : vector<640x1xi32> to vector<639x1xi32>
    %concatenate3A_294 = tpu.concatenate %slice3A_292, %slice3A_293 in 0 : vector<1x1xi32>, vector<639x1xi32> -> vector<640x1xi32>
    %slice3A_295 = vector.extract_strided_slice %broadcast_in_dim3A_284 {offsets = [639, 0], sizes = [1, 1], strides = [1, 1]} : vector<640x1xf32> to vector<1x1xf32>
    %slice3A_296 = vector.extract_strided_slice %broadcast_in_dim3A_284 {offsets = [0, 0], sizes = [639, 1], strides = [1, 1]} : vector<640x1xf32> to vector<639x1xf32>
    %concatenate3A_297 = tpu.concatenate %slice3A_295, %slice3A_296 in 0 : vector<1x1xf32>, vector<639x1xf32> -> vector<640x1xf32>
    %get3A_298 = arith.constant 1280 : index
    %get3A_299 = arith.constant 0 : index
    %get3A_300 = vector.load %arg2[%get3A_298, %get3A_299] : memref<5120x1xi32, #tpu.memory_space<vmem>>, vector<640x1xi32>
    %eq3A_301 = arith.cmpi eq, %min3A_291, %get3A_300 : vector<640x1xi32>
    %select_n3A_302 = arith.select %eq3A_301, %concatenate3A_294, %min3A_291 : vector<640x1xi1>, vector<640x1xi32>
    %select_n3A_303 = arith.select %eq3A_301, %concatenate3A_297, %broadcast_in_dim3A_284 : vector<640x1xi1>, vector<640x1xf32>
    %shift_right_arithmetic3A_304 = arith.constant 1 : i32
    %shift_right_arithmetic3A_305 = vector.broadcast %shift_right_arithmetic3A_304 : i32 to vector<640x1xi32>
    %shift_right_arithmetic3A_306 = arith.shrsi %select_n3A_302, %shift_right_arithmetic3A_305 : vector<640x1xi32>
    %swap3A_307 = arith.constant 1280 : index
    %swap3A_308 = arith.constant 0 : index
    %swap3A_309 = vector.load %arg4[%swap3A_307, %swap3A_308] : memref<5120x1xi32, #tpu.memory_space<vmem>>, vector<640x1xi32>
    tpu.vector_store %arg4[%swap3A_307, %swap3A_308], %shift_right_arithmetic3A_306 {strides = array<i32>} : memref<5120x1xi32, #tpu.memory_space<vmem>>, vector<640x1xi32>,
    %and3A_310 = arith.constant 1 : i32
    %and3A_311 = vector.broadcast %and3A_310 : i32 to vector<640x1xi32>
    %and3A_312 = arith.andi %select_n3A_302, %and3A_311 : vector<640x1xi32>
    %swap3A_313 = arith.constant 1280 : index
    %swap3A_314 = arith.constant 0 : index
    %swap3A_315 = vector.load %arg5[%swap3A_313, %swap3A_314] : memref<5120x1xi32, #tpu.memory_space<vmem>>, vector<640x1xi32>
    tpu.vector_store %arg5[%swap3A_313, %swap3A_314], %and3A_312 {strides = array<i32>} : memref<5120x1xi32, #tpu.memory_space<vmem>>, vector<640x1xi32>,
    %max3A_316 = arith.constant 1.000000e-30 : f32
    %max3A_317 = vector.broadcast %max3A_316 : f32 to vector<640x1xf32>
    %max3A_318 = arith.maximumf %select_n3A_303, %max3A_317 : vector<640x1xf32>
    %log3A_319 = math.log %max3A_318 : vector<640x1xf32>
    %sub3A_320 = vector.broadcast %log3A_18 : vector<1x1xf32> to vector<640x1xf32>
    %sub3A_321 = arith.subf %log3A_319, %sub3A_320 : vector<640x1xf32>
    %swap3A_322 = arith.constant 1280 : index
    %swap3A_323 = arith.constant 0 : index
    %swap3A_324 = vector.load %arg6[%swap3A_322, %swap3A_323] : memref<5120x1xf32, #tpu.memory_space<vmem>>, vector<640x1xf32>
    tpu.vector_store %arg6[%swap3A_322, %swap3A_323], %sub3A_321 {strides = array<i32>} : memref<5120x1xf32, #tpu.memory_space<vmem>>, vector<640x1xf32>,
    %slice3A_325 = vector.extract_strided_slice %mul3A_31 {offsets = [1920, 0], sizes = [640, 1], strides = [1, 1]} : vector<5120x1xf32> to vector<640x1xf32>
    %le3A_326 = vector.broadcast %dot_general3A_17 : vector<1x784xf32> to vector<640x784xf32>
    %le3A_327 = vector.broadcast %slice3A_325 : vector<640x1xf32> to vector<640x784xf32>
    %le3A_328 = arith.cmpf ole, %le3A_326, %le3A_327 : vector<640x784xf32>
    %convert_element_type3A_329 = arith.extui %le3A_328 : vector<640x784xi1> to vector<640x784xi32>
    %convert_element_type3A_330 = arith.sitofp %convert_element_type3A_329 : vector<640x784xi32> to vector<640x784xf32>
    %reduce_sum3A_331 = arith.constant dense<0.000000e+00> : vector<640xf32>
    %reduce_sum3A_332 = vector.multi_reduction <add>, %convert_element_type3A_330, %reduce_sum3A_331 [1] : vector<640x784xf32> to vector<640xf32>
    %broadcast_in_dim3A_333 = vector.shape_cast %reduce_sum3A_332 : vector<640xf32> to vector<640x1xf32>
    %convert_element_type3A_334 = arith.fptosi %broadcast_in_dim3A_333 : vector<640x1xf32> to vector<640x1xi32>
    %min3A_335 = arith.constant 781 : i32
    %min3A_336 = vector.broadcast %min3A_335 : i32 to vector<640x1xi32>
    %min3A_337 = arith.minsi %convert_element_type3A_334, %min3A_336 : vector<640x1xi32>
    %jit3A_338 = arith.constant 0.000000e+00 : f32
    %broadcast_in_dim3A_339 = vector.shape_cast %dot_general3A_17 : vector<1x784xf32> to vector<1x784xf32>
    %broadcast_in_dim3A_340 = vector.broadcast %broadcast_in_dim3A_339 : vector<1x784xf32> to vector<640x784xf32>
    %broadcast_in_dim3A_341 = vector.broadcast %jit3A_338 : f32 to vector<640x784xf32>
    %select_n3A_342 = arith.select %le3A_328, %broadcast_in_dim3A_340, %broadcast_in_dim3A_341 : vector<640x784xi1>, vector<640x784xf32>
    %reduce_max3A_343 = arith.constant dense<0xFF800000> : vector<640xf32>
    %reduce_max3A_344 = vector.multi_reduction <maximumf>, %select_n3A_342, %reduce_max3A_343 [1] : vector<640x784xf32> to vector<640xf32>
    %broadcast_in_dim3A_345 = vector.shape_cast %reduce_max3A_344 : vector<640xf32> to vector<640x1xf32>
    %iota3A_346 = tpu.iota {dimensions = array<i32: 1>} : vector<640x784xi32>
    %eq3A_347 = vector.broadcast %min3A_337 : vector<640x1xi32> to vector<640x784xi32>
    %eq3A_348 = arith.cmpi eq, %iota3A_346, %eq3A_347 : vector<640x784xi32>
    %convert_element_type3A_349 = arith.extui %eq3A_348 : vector<640x784xi1> to vector<640x784xi32>
    %convert_element_type3A_350 = arith.sitofp %convert_element_type3A_349 : vector<640x784xi32> to vector<640x784xf32>
    %dot_general3A_351 = arith.constant dense<0.000000e+00> : vector<640x128xf32>
    %dot_general3A_352 = tpu.matmul %convert_element_type3A_350, %select_n3A_8, %dot_general3A_351 {dimension_numbers = #tpu.dot_dimension_numbers<[1], [0], [0], [1], [0, 0, 1, 1], [], []>, transpose_lhs_hint = false} : vector<640x784xf32>, vector<784x128xf32>, vector<640x128xf32> -> vector<640x128xf32>
    %sub3A_353 = arith.subf %slice3A_325, %broadcast_in_dim3A_345 : vector<640x1xf32>
    %dot_general3A_354 = arith.constant dense<0.000000e+00> : vector<640x128xf32>
    %dot_general3A_355 = tpu.matmul %dot_general3A_352, %convert_element_type3A_23, %dot_general3A_354 {dimension_numbers = #tpu.dot_dimension_numbers<[1], [0], [0], [1], [0, 0, 1, 1], [], []>, transpose_lhs_hint = false} : vector<640x128xf32>, vector<128x128xf32>, vector<640x128xf32> -> vector<640x128xf32>
    %le3A_356 = vector.broadcast %sub3A_353 : vector<640x1xf32> to vector<640x128xf32>
    %le3A_357 = arith.cmpf ole, %dot_general3A_355, %le3A_356 : vector<640x128xf32>
    %convert_element_type3A_358 = arith.extui %le3A_357 : vector<640x128xi1> to vector<640x128xi32>
    %convert_element_type3A_359 = arith.sitofp %convert_element_type3A_358 : vector<640x128xi32> to vector<640x128xf32>
    %reduce_sum3A_360 = arith.constant dense<0.000000e+00> : vector<640xf32>
    %reduce_sum3A_361 = vector.multi_reduction <add>, %convert_element_type3A_359, %reduce_sum3A_360 [1] : vector<640x128xf32> to vector<640xf32>
    %broadcast_in_dim3A_362 = vector.shape_cast %reduce_sum3A_361 : vector<640xf32> to vector<640x1xf32>
    %convert_element_type3A_363 = arith.fptosi %broadcast_in_dim3A_362 : vector<640x1xf32> to vector<640x1xi32>
    %gt3A_364 = arith.constant 0.000000e+00 : f32
    %gt3A_365 = vector.broadcast %gt3A_364 : f32 to vector<640x128xf32>
    %gt3A_366 = arith.cmpf ogt, %dot_general3A_352, %gt3A_365 : vector<640x128xf32>
    %convert_element_type3A_367 = arith.extui %gt3A_366 : vector<640x128xi1> to vector<640x128xi32>
    %convert_element_type3A_368 = arith.sitofp %convert_element_type3A_367 : vector<640x128xi32> to vector<640x128xf32>
    %reduce_sum3A_369 = arith.constant dense<0.000000e+00> : vector<640xf32>
    %reduce_sum3A_370 = vector.multi_reduction <add>, %convert_element_type3A_368, %reduce_sum3A_369 [1] : vector<640x128xf32> to vector<640xf32>
    %broadcast_in_dim3A_371 = vector.shape_cast %reduce_sum3A_370 : vector<640xf32> to vector<640x1xf32>
    %convert_element_type3A_372 = arith.fptosi %broadcast_in_dim3A_371 : vector<640x1xf32> to vector<640x1xi32>
    %sub3A_373 = arith.constant 1 : i32
    %sub3A_374 = vector.broadcast %sub3A_373 : i32 to vector<640x1xi32>
    %sub3A_375 = arith.subi %convert_element_type3A_372, %sub3A_374 : vector<640x1xi32>
    %min3A_376 = arith.minsi %convert_element_type3A_363, %sub3A_375 : vector<640x1xi32>
    %iota3A_377 = tpu.iota {dimensions = array<i32: 1>} : vector<640x128xi32>
    %eq3A_378 = vector.broadcast %min3A_376 : vector<640x1xi32> to vector<640x128xi32>
    %eq3A_379 = arith.cmpi eq, %iota3A_377, %eq3A_378 : vector<640x128xi32>
    %convert_element_type3A_380 = arith.extui %eq3A_379 : vector<640x128xi1> to vector<640x128xi32>
    %convert_element_type3A_381 = arith.sitofp %convert_element_type3A_380 : vector<640x128xi32> to vector<640x128xf32>
    %mul3A_382 = arith.mulf %dot_general3A_352, %convert_element_type3A_381 : vector<640x128xf32>
    %reduce_sum3A_383 = arith.constant dense<0.000000e+00> : vector<640xf32>
    %reduce_sum3A_384 = vector.multi_reduction <add>, %mul3A_382, %reduce_sum3A_383 [1] : vector<640x128xf32> to vector<640xf32>
    %broadcast_in_dim3A_385 = vector.shape_cast %reduce_sum3A_384 : vector<640xf32> to vector<640x1xf32>
    %mul3A_386 = arith.constant 128 : i32
    %mul3A_387 = vector.broadcast %mul3A_386 : i32 to vector<640x1xi32>
    %mul3A_388 = arith.muli %min3A_337, %mul3A_387 : vector<640x1xi32>
    %add3A_389 = arith.addi %mul3A_388, %min3A_376 : vector<640x1xi32>
    %min3A_390 = arith.constant 99999 : i32
    %min3A_391 = vector.broadcast %min3A_390 : i32 to vector<640x1xi32>
    %min3A_392 = arith.minsi %add3A_389, %min3A_391 : vector<640x1xi32>
    %slice3A_393 = vector.extract_strided_slice %min3A_392 {offsets = [639, 0], sizes = [1, 1], strides = [1, 1]} : vector<640x1xi32> to vector<1x1xi32>
    %slice3A_394 = vector.extract_strided_slice %min3A_392 {offsets = [0, 0], sizes = [639, 1], strides = [1, 1]} : vector<640x1xi32> to vector<639x1xi32>
    %concatenate3A_395 = tpu.concatenate %slice3A_393, %slice3A_394 in 0 : vector<1x1xi32>, vector<639x1xi32> -> vector<640x1xi32>
    %slice3A_396 = vector.extract_strided_slice %broadcast_in_dim3A_385 {offsets = [639, 0], sizes = [1, 1], strides = [1, 1]} : vector<640x1xf32> to vector<1x1xf32>
    %slice3A_397 = vector.extract_strided_slice %broadcast_in_dim3A_385 {offsets = [0, 0], sizes = [639, 1], strides = [1, 1]} : vector<640x1xf32> to vector<639x1xf32>
    %concatenate3A_398 = tpu.concatenate %slice3A_396, %slice3A_397 in 0 : vector<1x1xf32>, vector<639x1xf32> -> vector<640x1xf32>
    %get3A_399 = arith.constant 1920 : index
    %get3A_400 = arith.constant 0 : index
    %get3A_401 = vector.load %arg2[%get3A_399, %get3A_400] : memref<5120x1xi32, #tpu.memory_space<vmem>>, vector<640x1xi32>
    %eq3A_402 = arith.cmpi eq, %min3A_392, %get3A_401 : vector<640x1xi32>
    %select_n3A_403 = arith.select %eq3A_402, %concatenate3A_395, %min3A_392 : vector<640x1xi1>, vector<640x1xi32>
    %select_n3A_404 = arith.select %eq3A_402, %concatenate3A_398, %broadcast_in_dim3A_385 : vector<640x1xi1>, vector<640x1xf32>
    %shift_right_arithmetic3A_405 = arith.constant 1 : i32
    %shift_right_arithmetic3A_406 = vector.broadcast %shift_right_arithmetic3A_405 : i32 to vector<640x1xi32>
    %shift_right_arithmetic3A_407 = arith.shrsi %select_n3A_403, %shift_right_arithmetic3A_406 : vector<640x1xi32>
    %swap3A_408 = arith.constant 1920 : index
    %swap3A_409 = arith.constant 0 : index
    %swap3A_410 = vector.load %arg4[%swap3A_408, %swap3A_409] : memref<5120x1xi32, #tpu.memory_space<vmem>>, vector<640x1xi32>
    tpu.vector_store %arg4[%swap3A_408, %swap3A_409], %shift_right_arithmetic3A_407 {strides = array<i32>} : memref<5120x1xi32, #tpu.memory_space<vmem>>, vector<640x1xi32>,
    %and3A_411 = arith.constant 1 : i32
    %and3A_412 = vector.broadcast %and3A_411 : i32 to vector<640x1xi32>
    %and3A_413 = arith.andi %select_n3A_403, %and3A_412 : vector<640x1xi32>
    %swap3A_414 = arith.constant 1920 : index
    %swap3A_415 = arith.constant 0 : index
    %swap3A_416 = vector.load %arg5[%swap3A_414, %swap3A_415] : memref<5120x1xi32, #tpu.memory_space<vmem>>, vector<640x1xi32>
    tpu.vector_store %arg5[%swap3A_414, %swap3A_415], %and3A_413 {strides = array<i32>} : memref<5120x1xi32, #tpu.memory_space<vmem>>, vector<640x1xi32>,
    %max3A_417 = arith.constant 1.000000e-30 : f32
    %max3A_418 = vector.broadcast %max3A_417 : f32 to vector<640x1xf32>
    %max3A_419 = arith.maximumf %select_n3A_404, %max3A_418 : vector<640x1xf32>
    %log3A_420 = math.log %max3A_419 : vector<640x1xf32>
    %sub3A_421 = vector.broadcast %log3A_18 : vector<1x1xf32> to vector<640x1xf32>
    %sub3A_422 = arith.subf %log3A_420, %sub3A_421 : vector<640x1xf32>
    %swap3A_423 = arith.constant 1920 : index
    %swap3A_424 = arith.constant 0 : index
    %swap3A_425 = vector.load %arg6[%swap3A_423, %swap3A_424] : memref<5120x1xf32, #tpu.memory_space<vmem>>, vector<640x1xf32>
    tpu.vector_store %arg6[%swap3A_423, %swap3A_424], %sub3A_422 {strides = array<i32>} : memref<5120x1xf32, #tpu.memory_space<vmem>>, vector<640x1xf32>,
    %slice3A_426 = vector.extract_strided_slice %mul3A_31 {offsets = [2560, 0], sizes = [640, 1], strides = [1, 1]} : vector<5120x1xf32> to vector<640x1xf32>
    %le3A_427 = vector.broadcast %dot_general3A_17 : vector<1x784xf32> to vector<640x784xf32>
    %le3A_428 = vector.broadcast %slice3A_426 : vector<640x1xf32> to vector<640x784xf32>
    %le3A_429 = arith.cmpf ole, %le3A_427, %le3A_428 : vector<640x784xf32>
    %convert_element_type3A_430 = arith.extui %le3A_429 : vector<640x784xi1> to vector<640x784xi32>
    %convert_element_type3A_431 = arith.sitofp %convert_element_type3A_430 : vector<640x784xi32> to vector<640x784xf32>
    %reduce_sum3A_432 = arith.constant dense<0.000000e+00> : vector<640xf32>
    %reduce_sum3A_433 = vector.multi_reduction <add>, %convert_element_type3A_431, %reduce_sum3A_432 [1] : vector<640x784xf32> to vector<640xf32>
    %broadcast_in_dim3A_434 = vector.shape_cast %reduce_sum3A_433 : vector<640xf32> to vector<640x1xf32>
    %convert_element_type3A_435 = arith.fptosi %broadcast_in_dim3A_434 : vector<640x1xf32> to vector<640x1xi32>
    %min3A_436 = arith.constant 781 : i32
    %min3A_437 = vector.broadcast %min3A_436 : i32 to vector<640x1xi32>
    %min3A_438 = arith.minsi %convert_element_type3A_435, %min3A_437 : vector<640x1xi32>
    %jit3A_439 = arith.constant 0.000000e+00 : f32
    %broadcast_in_dim3A_440 = vector.shape_cast %dot_general3A_17 : vector<1x784xf32> to vector<1x784xf32>
    %broadcast_in_dim3A_441 = vector.broadcast %broadcast_in_dim3A_440 : vector<1x784xf32> to vector<640x784xf32>
    %broadcast_in_dim3A_442 = vector.broadcast %jit3A_439 : f32 to vector<640x784xf32>
    %select_n3A_443 = arith.select %le3A_429, %broadcast_in_dim3A_441, %broadcast_in_dim3A_442 : vector<640x784xi1>, vector<640x784xf32>
    %reduce_max3A_444 = arith.constant dense<0xFF800000> : vector<640xf32>
    %reduce_max3A_445 = vector.multi_reduction <maximumf>, %select_n3A_443, %reduce_max3A_444 [1] : vector<640x784xf32> to vector<640xf32>
    %broadcast_in_dim3A_446 = vector.shape_cast %reduce_max3A_445 : vector<640xf32> to vector<640x1xf32>
    %iota3A_447 = tpu.iota {dimensions = array<i32: 1>} : vector<640x784xi32>
    %eq3A_448 = vector.broadcast %min3A_438 : vector<640x1xi32> to vector<640x784xi32>
    %eq3A_449 = arith.cmpi eq, %iota3A_447, %eq3A_448 : vector<640x784xi32>
    %convert_element_type3A_450 = arith.extui %eq3A_449 : vector<640x784xi1> to vector<640x784xi32>
    %convert_element_type3A_451 = arith.sitofp %convert_element_type3A_450 : vector<640x784xi32> to vector<640x784xf32>
    %dot_general3A_452 = arith.constant dense<0.000000e+00> : vector<640x128xf32>
    %dot_general3A_453 = tpu.matmul %convert_element_type3A_451, %select_n3A_8, %dot_general3A_452 {dimension_numbers = #tpu.dot_dimension_numbers<[1], [0], [0], [1], [0, 0, 1, 1], [], []>, transpose_lhs_hint = false} : vector<640x784xf32>, vector<784x128xf32>, vector<640x128xf32> -> vector<640x128xf32>
    %sub3A_454 = arith.subf %slice3A_426, %broadcast_in_dim3A_446 : vector<640x1xf32>
    %dot_general3A_455 = arith.constant dense<0.000000e+00> : vector<640x128xf32>
    %dot_general3A_456 = tpu.matmul %dot_general3A_453, %convert_element_type3A_23, %dot_general3A_455 {dimension_numbers = #tpu.dot_dimension_numbers<[1], [0], [0], [1], [0, 0, 1, 1], [], []>, transpose_lhs_hint = false} : vector<640x128xf32>, vector<128x128xf32>, vector<640x128xf32> -> vector<640x128xf32>
    %le3A_457 = vector.broadcast %sub3A_454 : vector<640x1xf32> to vector<640x128xf32>
    %le3A_458 = arith.cmpf ole, %dot_general3A_456, %le3A_457 : vector<640x128xf32>
    %convert_element_type3A_459 = arith.extui %le3A_458 : vector<640x128xi1> to vector<640x128xi32>
    %convert_element_type3A_460 = arith.sitofp %convert_element_type3A_459 : vector<640x128xi32> to vector<640x128xf32>
    %reduce_sum3A_461 = arith.constant dense<0.000000e+00> : vector<640xf32>
    %reduce_sum3A_462 = vector.multi_reduction <add>, %convert_element_type3A_460, %reduce_sum3A_461 [1] : vector<640x128xf32> to vector<640xf32>
    %broadcast_in_dim3A_463 = vector.shape_cast %reduce_sum3A_462 : vector<640xf32> to vector<640x1xf32>
    %convert_element_type3A_464 = arith.fptosi %broadcast_in_dim3A_463 : vector<640x1xf32> to vector<640x1xi32>
    %gt3A_465 = arith.constant 0.000000e+00 : f32
    %gt3A_466 = vector.broadcast %gt3A_465 : f32 to vector<640x128xf32>
    %gt3A_467 = arith.cmpf ogt, %dot_general3A_453, %gt3A_466 : vector<640x128xf32>
    %convert_element_type3A_468 = arith.extui %gt3A_467 : vector<640x128xi1> to vector<640x128xi32>
    %convert_element_type3A_469 = arith.sitofp %convert_element_type3A_468 : vector<640x128xi32> to vector<640x128xf32>
    %reduce_sum3A_470 = arith.constant dense<0.000000e+00> : vector<640xf32>
    %reduce_sum3A_471 = vector.multi_reduction <add>, %convert_element_type3A_469, %reduce_sum3A_470 [1] : vector<640x128xf32> to vector<640xf32>
    %broadcast_in_dim3A_472 = vector.shape_cast %reduce_sum3A_471 : vector<640xf32> to vector<640x1xf32>
    %convert_element_type3A_473 = arith.fptosi %broadcast_in_dim3A_472 : vector<640x1xf32> to vector<640x1xi32>
    %sub3A_474 = arith.constant 1 : i32
    %sub3A_475 = vector.broadcast %sub3A_474 : i32 to vector<640x1xi32>
    %sub3A_476 = arith.subi %convert_element_type3A_473, %sub3A_475 : vector<640x1xi32>
    %min3A_477 = arith.minsi %convert_element_type3A_464, %sub3A_476 : vector<640x1xi32>
    %iota3A_478 = tpu.iota {dimensions = array<i32: 1>} : vector<640x128xi32>
    %eq3A_479 = vector.broadcast %min3A_477 : vector<640x1xi32> to vector<640x128xi32>
    %eq3A_480 = arith.cmpi eq, %iota3A_478, %eq3A_479 : vector<640x128xi32>
    %convert_element_type3A_481 = arith.extui %eq3A_480 : vector<640x128xi1> to vector<640x128xi32>
    %convert_element_type3A_482 = arith.sitofp %convert_element_type3A_481 : vector<640x128xi32> to vector<640x128xf32>
    %mul3A_483 = arith.mulf %dot_general3A_453, %convert_element_type3A_482 : vector<640x128xf32>
    %reduce_sum3A_484 = arith.constant dense<0.000000e+00> : vector<640xf32>
    %reduce_sum3A_485 = vector.multi_reduction <add>, %mul3A_483, %reduce_sum3A_484 [1] : vector<640x128xf32> to vector<640xf32>
    %broadcast_in_dim3A_486 = vector.shape_cast %reduce_sum3A_485 : vector<640xf32> to vector<640x1xf32>
    %mul3A_487 = arith.constant 128 : i32
    %mul3A_488 = vector.broadcast %mul3A_487 : i32 to vector<640x1xi32>
    %mul3A_489 = arith.muli %min3A_438, %mul3A_488 : vector<640x1xi32>
    %add3A_490 = arith.addi %mul3A_489, %min3A_477 : vector<640x1xi32>
    %min3A_491 = arith.constant 99999 : i32
    %min3A_492 = vector.broadcast %min3A_491 : i32 to vector<640x1xi32>
    %min3A_493 = arith.minsi %add3A_490, %min3A_492 : vector<640x1xi32>
    %slice3A_494 = vector.extract_strided_slice %min3A_493 {offsets = [639, 0], sizes = [1, 1], strides = [1, 1]} : vector<640x1xi32> to vector<1x1xi32>
    %slice3A_495 = vector.extract_strided_slice %min3A_493 {offsets = [0, 0], sizes = [639, 1], strides = [1, 1]} : vector<640x1xi32> to vector<639x1xi32>
    %concatenate3A_496 = tpu.concatenate %slice3A_494, %slice3A_495 in 0 : vector<1x1xi32>, vector<639x1xi32> -> vector<640x1xi32>
    %slice3A_497 = vector.extract_strided_slice %broadcast_in_dim3A_486 {offsets = [639, 0], sizes = [1, 1], strides = [1, 1]} : vector<640x1xf32> to vector<1x1xf32>
    %slice3A_498 = vector.extract_strided_slice %broadcast_in_dim3A_486 {offsets = [0, 0], sizes = [639, 1], strides = [1, 1]} : vector<640x1xf32> to vector<639x1xf32>
    %concatenate3A_499 = tpu.concatenate %slice3A_497, %slice3A_498 in 0 : vector<1x1xf32>, vector<639x1xf32> -> vector<640x1xf32>
    %get3A_500 = arith.constant 2560 : index
    %get3A_501 = arith.constant 0 : index
    %get3A_502 = vector.load %arg2[%get3A_500, %get3A_501] : memref<5120x1xi32, #tpu.memory_space<vmem>>, vector<640x1xi32>
    %eq3A_503 = arith.cmpi eq, %min3A_493, %get3A_502 : vector<640x1xi32>
    %select_n3A_504 = arith.select %eq3A_503, %concatenate3A_496, %min3A_493 : vector<640x1xi1>, vector<640x1xi32>
    %select_n3A_505 = arith.select %eq3A_503, %concatenate3A_499, %broadcast_in_dim3A_486 : vector<640x1xi1>, vector<640x1xf32>
    %shift_right_arithmetic3A_506 = arith.constant 1 : i32
    %shift_right_arithmetic3A_507 = vector.broadcast %shift_right_arithmetic3A_506 : i32 to vector<640x1xi32>
    %shift_right_arithmetic3A_508 = arith.shrsi %select_n3A_504, %shift_right_arithmetic3A_507 : vector<640x1xi32>
    %swap3A_509 = arith.constant 2560 : index
    %swap3A_510 = arith.constant 0 : index
    %swap3A_511 = vector.load %arg4[%swap3A_509, %swap3A_510] : memref<5120x1xi32, #tpu.memory_space<vmem>>, vector<640x1xi32>
    tpu.vector_store %arg4[%swap3A_509, %swap3A_510], %shift_right_arithmetic3A_508 {strides = array<i32>} : memref<5120x1xi32, #tpu.memory_space<vmem>>, vector<640x1xi32>,
    %and3A_512 = arith.constant 1 : i32
    %and3A_513 = vector.broadcast %and3A_512 : i32 to vector<640x1xi32>
    %and3A_514 = arith.andi %select_n3A_504, %and3A_513 : vector<640x1xi32>
    %swap3A_515 = arith.constant 2560 : index
    %swap3A_516 = arith.constant 0 : index
    %swap3A_517 = vector.load %arg5[%swap3A_515, %swap3A_516] : memref<5120x1xi32, #tpu.memory_space<vmem>>, vector<640x1xi32>
    tpu.vector_store %arg5[%swap3A_515, %swap3A_516], %and3A_514 {strides = array<i32>} : memref<5120x1xi32, #tpu.memory_space<vmem>>, vector<640x1xi32>,
    %max3A_518 = arith.constant 1.000000e-30 : f32
    %max3A_519 = vector.broadcast %max3A_518 : f32 to vector<640x1xf32>
    %max3A_520 = arith.maximumf %select_n3A_505, %max3A_519 : vector<640x1xf32>
    %log3A_521 = math.log %max3A_520 : vector<640x1xf32>
    %sub3A_522 = vector.broadcast %log3A_18 : vector<1x1xf32> to vector<640x1xf32>
    %sub3A_523 = arith.subf %log3A_521, %sub3A_522 : vector<640x1xf32>
    %swap3A_524 = arith.constant 2560 : index
    %swap3A_525 = arith.constant 0 : index
    %swap3A_526 = vector.load %arg6[%swap3A_524, %swap3A_525] : memref<5120x1xf32, #tpu.memory_space<vmem>>, vector<640x1xf32>
    tpu.vector_store %arg6[%swap3A_524, %swap3A_525], %sub3A_523 {strides = array<i32>} : memref<5120x1xf32, #tpu.memory_space<vmem>>, vector<640x1xf32>,
    %slice3A_527 = vector.extract_strided_slice %mul3A_31 {offsets = [3200, 0], sizes = [640, 1], strides = [1, 1]} : vector<5120x1xf32> to vector<640x1xf32>
    %le3A_528 = vector.broadcast %dot_general3A_17 : vector<1x784xf32> to vector<640x784xf32>
    %le3A_529 = vector.broadcast %slice3A_527 : vector<640x1xf32> to vector<640x784xf32>
    %le3A_530 = arith.cmpf ole, %le3A_528, %le3A_529 : vector<640x784xf32>
    %convert_element_type3A_531 = arith.extui %le3A_530 : vector<640x784xi1> to vector<640x784xi32>
    %convert_element_type3A_532 = arith.sitofp %convert_element_type3A_531 : vector<640x784xi32> to vector<640x784xf32>
    %reduce_sum3A_533 = arith.constant dense<0.000000e+00> : vector<640xf32>
    %reduce_sum3A_534 = vector.multi_reduction <add>, %convert_element_type3A_532, %reduce_sum3A_533 [1] : vector<640x784xf32> to vector<640xf32>
    %broadcast_in_dim3A_535 = vector.shape_cast %reduce_sum3A_534 : vector<640xf32> to vector<640x1xf32>
    %convert_element_type3A_536 = arith.fptosi %broadcast_in_dim3A_535 : vector<640x1xf32> to vector<640x1xi32>
    %min3A_537 = arith.constant 781 : i32
    %min3A_538 = vector.broadcast %min3A_537 : i32 to vector<640x1xi32>
    %min3A_539 = arith.minsi %convert_element_type3A_536, %min3A_538 : vector<640x1xi32>
    %jit3A_540 = arith.constant 0.000000e+00 : f32
    %broadcast_in_dim3A_541 = vector.shape_cast %dot_general3A_17 : vector<1x784xf32> to vector<1x784xf32>
    %broadcast_in_dim3A_542 = vector.broadcast %broadcast_in_dim3A_541 : vector<1x784xf32> to vector<640x784xf32>
    %broadcast_in_dim3A_543 = vector.broadcast %jit3A_540 : f32 to vector<640x784xf32>
    %select_n3A_544 = arith.select %le3A_530, %broadcast_in_dim3A_542, %broadcast_in_dim3A_543 : vector<640x784xi1>, vector<640x784xf32>
    %reduce_max3A_545 = arith.constant dense<0xFF800000> : vector<640xf32>
    %reduce_max3A_546 = vector.multi_reduction <maximumf>, %select_n3A_544, %reduce_max3A_545 [1] : vector<640x784xf32> to vector<640xf32>
    %broadcast_in_dim3A_547 = vector.shape_cast %reduce_max3A_546 : vector<640xf32> to vector<640x1xf32>
    %iota3A_548 = tpu.iota {dimensions = array<i32: 1>} : vector<640x784xi32>
    %eq3A_549 = vector.broadcast %min3A_539 : vector<640x1xi32> to vector<640x784xi32>
    %eq3A_550 = arith.cmpi eq, %iota3A_548, %eq3A_549 : vector<640x784xi32>
    %convert_element_type3A_551 = arith.extui %eq3A_550 : vector<640x784xi1> to vector<640x784xi32>
    %convert_element_type3A_552 = arith.sitofp %convert_element_type3A_551 : vector<640x784xi32> to vector<640x784xf32>
    %dot_general3A_553 = arith.constant dense<0.000000e+00> : vector<640x128xf32>
    %dot_general3A_554 = tpu.matmul %convert_element_type3A_552, %select_n3A_8, %dot_general3A_553 {dimension_numbers = #tpu.dot_dimension_numbers<[1], [0], [0], [1], [0, 0, 1, 1], [], []>, transpose_lhs_hint = false} : vector<640x784xf32>, vector<784x128xf32>, vector<640x128xf32> -> vector<640x128xf32>
    %sub3A_555 = arith.subf %slice3A_527, %broadcast_in_dim3A_547 : vector<640x1xf32>
    %dot_general3A_556 = arith.constant dense<0.000000e+00> : vector<640x128xf32>
    %dot_general3A_557 = tpu.matmul %dot_general3A_554, %convert_element_type3A_23, %dot_general3A_556 {dimension_numbers = #tpu.dot_dimension_numbers<[1], [0], [0], [1], [0, 0, 1, 1], [], []>, transpose_lhs_hint = false} : vector<640x128xf32>, vector<128x128xf32>, vector<640x128xf32> -> vector<640x128xf32>
    %le3A_558 = vector.broadcast %sub3A_555 : vector<640x1xf32> to vector<640x128xf32>
    %le3A_559 = arith.cmpf ole, %dot_general3A_557, %le3A_558 : vector<640x128xf32>
    %convert_element_type3A_560 = arith.extui %le3A_559 : vector<640x128xi1> to vector<640x128xi32>
    %convert_element_type3A_561 = arith.sitofp %convert_element_type3A_560 : vector<640x128xi32> to vector<640x128xf32>
    %reduce_sum3A_562 = arith.constant dense<0.000000e+00> : vector<640xf32>
    %reduce_sum3A_563 = vector.multi_reduction <add>, %convert_element_type3A_561, %reduce_sum3A_562 [1] : vector<640x128xf32> to vector<640xf32>
    %broadcast_in_dim3A_564 = vector.shape_cast %reduce_sum3A_563 : vector<640xf32> to vector<640x1xf32>
    %convert_element_type3A_565 = arith.fptosi %broadcast_in_dim3A_564 : vector<640x1xf32> to vector<640x1xi32>
    %gt3A_566 = arith.constant 0.000000e+00 : f32
    %gt3A_567 = vector.broadcast %gt3A_566 : f32 to vector<640x128xf32>
    %gt3A_568 = arith.cmpf ogt, %dot_general3A_554, %gt3A_567 : vector<640x128xf32>
    %convert_element_type3A_569 = arith.extui %gt3A_568 : vector<640x128xi1> to vector<640x128xi32>
    %convert_element_type3A_570 = arith.sitofp %convert_element_type3A_569 : vector<640x128xi32> to vector<640x128xf32>
    %reduce_sum3A_571 = arith.constant dense<0.000000e+00> : vector<640xf32>
    %reduce_sum3A_572 = vector.multi_reduction <add>, %convert_element_type3A_570, %reduce_sum3A_571 [1] : vector<640x128xf32> to vector<640xf32>
    %broadcast_in_dim3A_573 = vector.shape_cast %reduce_sum3A_572 : vector<640xf32> to vector<640x1xf32>
    %convert_element_type3A_574 = arith.fptosi %broadcast_in_dim3A_573 : vector<640x1xf32> to vector<640x1xi32>
    %sub3A_575 = arith.constant 1 : i32
    %sub3A_576 = vector.broadcast %sub3A_575 : i32 to vector<640x1xi32>
    %sub3A_577 = arith.subi %convert_element_type3A_574, %sub3A_576 : vector<640x1xi32>
    %min3A_578 = arith.minsi %convert_element_type3A_565, %sub3A_577 : vector<640x1xi32>
    %iota3A_579 = tpu.iota {dimensions = array<i32: 1>} : vector<640x128xi32>
    %eq3A_580 = vector.broadcast %min3A_578 : vector<640x1xi32> to vector<640x128xi32>
    %eq3A_581 = arith.cmpi eq, %iota3A_579, %eq3A_580 : vector<640x128xi32>
    %convert_element_type3A_582 = arith.extui %eq3A_581 : vector<640x128xi1> to vector<640x128xi32>
    %convert_element_type3A_583 = arith.sitofp %convert_element_type3A_582 : vector<640x128xi32> to vector<640x128xf32>
    %mul3A_584 = arith.mulf %dot_general3A_554, %convert_element_type3A_583 : vector<640x128xf32>
    %reduce_sum3A_585 = arith.constant dense<0.000000e+00> : vector<640xf32>
    %reduce_sum3A_586 = vector.multi_reduction <add>, %mul3A_584, %reduce_sum3A_585 [1] : vector<640x128xf32> to vector<640xf32>
    %broadcast_in_dim3A_587 = vector.shape_cast %reduce_sum3A_586 : vector<640xf32> to vector<640x1xf32>
    %mul3A_588 = arith.constant 128 : i32
    %mul3A_589 = vector.broadcast %mul3A_588 : i32 to vector<640x1xi32>
    %mul3A_590 = arith.muli %min3A_539, %mul3A_589 : vector<640x1xi32>
    %add3A_591 = arith.addi %mul3A_590, %min3A_578 : vector<640x1xi32>
    %min3A_592 = arith.constant 99999 : i32
    %min3A_593 = vector.broadcast %min3A_592 : i32 to vector<640x1xi32>
    %min3A_594 = arith.minsi %add3A_591, %min3A_593 : vector<640x1xi32>
    %slice3A_595 = vector.extract_strided_slice %min3A_594 {offsets = [639, 0], sizes = [1, 1], strides = [1, 1]} : vector<640x1xi32> to vector<1x1xi32>
    %slice3A_596 = vector.extract_strided_slice %min3A_594 {offsets = [0, 0], sizes = [639, 1], strides = [1, 1]} : vector<640x1xi32> to vector<639x1xi32>
    %concatenate3A_597 = tpu.concatenate %slice3A_595, %slice3A_596 in 0 : vector<1x1xi32>, vector<639x1xi32> -> vector<640x1xi32>
    %slice3A_598 = vector.extract_strided_slice %broadcast_in_dim3A_587 {offsets = [639, 0], sizes = [1, 1], strides = [1, 1]} : vector<640x1xf32> to vector<1x1xf32>
    %slice3A_599 = vector.extract_strided_slice %broadcast_in_dim3A_587 {offsets = [0, 0], sizes = [639, 1], strides = [1, 1]} : vector<640x1xf32> to vector<639x1xf32>
    %concatenate3A_600 = tpu.concatenate %slice3A_598, %slice3A_599 in 0 : vector<1x1xf32>, vector<639x1xf32> -> vector<640x1xf32>
    %get3A_601 = arith.constant 3200 : index
    %get3A_602 = arith.constant 0 : index
    %get3A_603 = vector.load %arg2[%get3A_601, %get3A_602] : memref<5120x1xi32, #tpu.memory_space<vmem>>, vector<640x1xi32>
    %eq3A_604 = arith.cmpi eq, %min3A_594, %get3A_603 : vector<640x1xi32>
    %select_n3A_605 = arith.select %eq3A_604, %concatenate3A_597, %min3A_594 : vector<640x1xi1>, vector<640x1xi32>
    %select_n3A_606 = arith.select %eq3A_604, %concatenate3A_600, %broadcast_in_dim3A_587 : vector<640x1xi1>, vector<640x1xf32>
    %shift_right_arithmetic3A_607 = arith.constant 1 : i32
    %shift_right_arithmetic3A_608 = vector.broadcast %shift_right_arithmetic3A_607 : i32 to vector<640x1xi32>
    %shift_right_arithmetic3A_609 = arith.shrsi %select_n3A_605, %shift_right_arithmetic3A_608 : vector<640x1xi32>
    %swap3A_610 = arith.constant 3200 : index
    %swap3A_611 = arith.constant 0 : index
    %swap3A_612 = vector.load %arg4[%swap3A_610, %swap3A_611] : memref<5120x1xi32, #tpu.memory_space<vmem>>, vector<640x1xi32>
    tpu.vector_store %arg4[%swap3A_610, %swap3A_611], %shift_right_arithmetic3A_609 {strides = array<i32>} : memref<5120x1xi32, #tpu.memory_space<vmem>>, vector<640x1xi32>,
    %and3A_613 = arith.constant 1 : i32
    %and3A_614 = vector.broadcast %and3A_613 : i32 to vector<640x1xi32>
    %and3A_615 = arith.andi %select_n3A_605, %and3A_614 : vector<640x1xi32>
    %swap3A_616 = arith.constant 3200 : index
    %swap3A_617 = arith.constant 0 : index
    %swap3A_618 = vector.load %arg5[%swap3A_616, %swap3A_617] : memref<5120x1xi32, #tpu.memory_space<vmem>>, vector<640x1xi32>
    tpu.vector_store %arg5[%swap3A_616, %swap3A_617], %and3A_615 {strides = array<i32>} : memref<5120x1xi32, #tpu.memory_space<vmem>>, vector<640x1xi32>,
    %max3A_619 = arith.constant 1.000000e-30 : f32
    %max3A_620 = vector.broadcast %max3A_619 : f32 to vector<640x1xf32>
    %max3A_621 = arith.maximumf %select_n3A_606, %max3A_620 : vector<640x1xf32>
    %log3A_622 = math.log %max3A_621 : vector<640x1xf32>
    %sub3A_623 = vector.broadcast %log3A_18 : vector<1x1xf32> to vector<640x1xf32>
    %sub3A_624 = arith.subf %log3A_622, %sub3A_623 : vector<640x1xf32>
    %swap3A_625 = arith.constant 3200 : index
    %swap3A_626 = arith.constant 0 : index
    %swap3A_627 = vector.load %arg6[%swap3A_625, %swap3A_626] : memref<5120x1xf32, #tpu.memory_space<vmem>>, vector<640x1xf32>
    tpu.vector_store %arg6[%swap3A_625, %swap3A_626], %sub3A_624 {strides = array<i32>} : memref<5120x1xf32, #tpu.memory_space<vmem>>, vector<640x1xf32>,
    %slice3A_628 = vector.extract_strided_slice %mul3A_31 {offsets = [3840, 0], sizes = [640, 1], strides = [1, 1]} : vector<5120x1xf32> to vector<640x1xf32>
    %le3A_629 = vector.broadcast %dot_general3A_17 : vector<1x784xf32> to vector<640x784xf32>
    %le3A_630 = vector.broadcast %slice3A_628 : vector<640x1xf32> to vector<640x784xf32>
    %le3A_631 = arith.cmpf ole, %le3A_629, %le3A_630 : vector<640x784xf32>
    %convert_element_type3A_632 = arith.extui %le3A_631 : vector<640x784xi1> to vector<640x784xi32>
    %convert_element_type3A_633 = arith.sitofp %convert_element_type3A_632 : vector<640x784xi32> to vector<640x784xf32>
    %reduce_sum3A_634 = arith.constant dense<0.000000e+00> : vector<640xf32>
    %reduce_sum3A_635 = vector.multi_reduction <add>, %convert_element_type3A_633, %reduce_sum3A_634 [1] : vector<640x784xf32> to vector<640xf32>
    %broadcast_in_dim3A_636 = vector.shape_cast %reduce_sum3A_635 : vector<640xf32> to vector<640x1xf32>
    %convert_element_type3A_637 = arith.fptosi %broadcast_in_dim3A_636 : vector<640x1xf32> to vector<640x1xi32>
    %min3A_638 = arith.constant 781 : i32
    %min3A_639 = vector.broadcast %min3A_638 : i32 to vector<640x1xi32>
    %min3A_640 = arith.minsi %convert_element_type3A_637, %min3A_639 : vector<640x1xi32>
    %jit3A_641 = arith.constant 0.000000e+00 : f32
    %broadcast_in_dim3A_642 = vector.shape_cast %dot_general3A_17 : vector<1x784xf32> to vector<1x784xf32>
    %broadcast_in_dim3A_643 = vector.broadcast %broadcast_in_dim3A_642 : vector<1x784xf32> to vector<640x784xf32>
    %broadcast_in_dim3A_644 = vector.broadcast %jit3A_641 : f32 to vector<640x784xf32>
    %select_n3A_645 = arith.select %le3A_631, %broadcast_in_dim3A_643, %broadcast_in_dim3A_644 : vector<640x784xi1>, vector<640x784xf32>
    %reduce_max3A_646 = arith.constant dense<0xFF800000> : vector<640xf32>
    %reduce_max3A_647 = vector.multi_reduction <maximumf>, %select_n3A_645, %reduce_max3A_646 [1] : vector<640x784xf32> to vector<640xf32>
    %broadcast_in_dim3A_648 = vector.shape_cast %reduce_max3A_647 : vector<640xf32> to vector<640x1xf32>
    %iota3A_649 = tpu.iota {dimensions = array<i32: 1>} : vector<640x784xi32>
    %eq3A_650 = vector.broadcast %min3A_640 : vector<640x1xi32> to vector<640x784xi32>
    %eq3A_651 = arith.cmpi eq, %iota3A_649, %eq3A_650 : vector<640x784xi32>
    %convert_element_type3A_652 = arith.extui %eq3A_651 : vector<640x784xi1> to vector<640x784xi32>
    %convert_element_type3A_653 = arith.sitofp %convert_element_type3A_652 : vector<640x784xi32> to vector<640x784xf32>
    %dot_general3A_654 = arith.constant dense<0.000000e+00> : vector<640x128xf32>
    %dot_general3A_655 = tpu.matmul %convert_element_type3A_653, %select_n3A_8, %dot_general3A_654 {dimension_numbers = #tpu.dot_dimension_numbers<[1], [0], [0], [1], [0, 0, 1, 1], [], []>, transpose_lhs_hint = false} : vector<640x784xf32>, vector<784x128xf32>, vector<640x128xf32> -> vector<640x128xf32>
    %sub3A_656 = arith.subf %slice3A_628, %broadcast_in_dim3A_648 : vector<640x1xf32>
    %dot_general3A_657 = arith.constant dense<0.000000e+00> : vector<640x128xf32>
    %dot_general3A_658 = tpu.matmul %dot_general3A_655, %convert_element_type3A_23, %dot_general3A_657 {dimension_numbers = #tpu.dot_dimension_numbers<[1], [0], [0], [1], [0, 0, 1, 1], [], []>, transpose_lhs_hint = false} : vector<640x128xf32>, vector<128x128xf32>, vector<640x128xf32> -> vector<640x128xf32>
    %le3A_659 = vector.broadcast %sub3A_656 : vector<640x1xf32> to vector<640x128xf32>
    %le3A_660 = arith.cmpf ole, %dot_general3A_658, %le3A_659 : vector<640x128xf32>
    %convert_element_type3A_661 = arith.extui %le3A_660 : vector<640x128xi1> to vector<640x128xi32>
    %convert_element_type3A_662 = arith.sitofp %convert_element_type3A_661 : vector<640x128xi32> to vector<640x128xf32>
    %reduce_sum3A_663 = arith.constant dense<0.000000e+00> : vector<640xf32>
    %reduce_sum3A_664 = vector.multi_reduction <add>, %convert_element_type3A_662, %reduce_sum3A_663 [1] : vector<640x128xf32> to vector<640xf32>
    %broadcast_in_dim3A_665 = vector.shape_cast %reduce_sum3A_664 : vector<640xf32> to vector<640x1xf32>
    %convert_element_type3A_666 = arith.fptosi %broadcast_in_dim3A_665 : vector<640x1xf32> to vector<640x1xi32>
    %gt3A_667 = arith.constant 0.000000e+00 : f32
    %gt3A_668 = vector.broadcast %gt3A_667 : f32 to vector<640x128xf32>
    %gt3A_669 = arith.cmpf ogt, %dot_general3A_655, %gt3A_668 : vector<640x128xf32>
    %convert_element_type3A_670 = arith.extui %gt3A_669 : vector<640x128xi1> to vector<640x128xi32>
    %convert_element_type3A_671 = arith.sitofp %convert_element_type3A_670 : vector<640x128xi32> to vector<640x128xf32>
    %reduce_sum3A_672 = arith.constant dense<0.000000e+00> : vector<640xf32>
    %reduce_sum3A_673 = vector.multi_reduction <add>, %convert_element_type3A_671, %reduce_sum3A_672 [1] : vector<640x128xf32> to vector<640xf32>
    %broadcast_in_dim3A_674 = vector.shape_cast %reduce_sum3A_673 : vector<640xf32> to vector<640x1xf32>
    %convert_element_type3A_675 = arith.fptosi %broadcast_in_dim3A_674 : vector<640x1xf32> to vector<640x1xi32>
    %sub3A_676 = arith.constant 1 : i32
    %sub3A_677 = vector.broadcast %sub3A_676 : i32 to vector<640x1xi32>
    %sub3A_678 = arith.subi %convert_element_type3A_675, %sub3A_677 : vector<640x1xi32>
    %min3A_679 = arith.minsi %convert_element_type3A_666, %sub3A_678 : vector<640x1xi32>
    %iota3A_680 = tpu.iota {dimensions = array<i32: 1>} : vector<640x128xi32>
    %eq3A_681 = vector.broadcast %min3A_679 : vector<640x1xi32> to vector<640x128xi32>
    %eq3A_682 = arith.cmpi eq, %iota3A_680, %eq3A_681 : vector<640x128xi32>
    %convert_element_type3A_683 = arith.extui %eq3A_682 : vector<640x128xi1> to vector<640x128xi32>
    %convert_element_type3A_684 = arith.sitofp %convert_element_type3A_683 : vector<640x128xi32> to vector<640x128xf32>
    %mul3A_685 = arith.mulf %dot_general3A_655, %convert_element_type3A_684 : vector<640x128xf32>
    %reduce_sum3A_686 = arith.constant dense<0.000000e+00> : vector<640xf32>
    %reduce_sum3A_687 = vector.multi_reduction <add>, %mul3A_685, %reduce_sum3A_686 [1] : vector<640x128xf32> to vector<640xf32>
    %broadcast_in_dim3A_688 = vector.shape_cast %reduce_sum3A_687 : vector<640xf32> to vector<640x1xf32>
    %mul3A_689 = arith.constant 128 : i32
    %mul3A_690 = vector.broadcast %mul3A_689 : i32 to vector<640x1xi32>
    %mul3A_691 = arith.muli %min3A_640, %mul3A_690 : vector<640x1xi32>
    %add3A_692 = arith.addi %mul3A_691, %min3A_679 : vector<640x1xi32>
    %min3A_693 = arith.constant 99999 : i32
    %min3A_694 = vector.broadcast %min3A_693 : i32 to vector<640x1xi32>
    %min3A_695 = arith.minsi %add3A_692, %min3A_694 : vector<640x1xi32>
    %slice3A_696 = vector.extract_strided_slice %min3A_695 {offsets = [639, 0], sizes = [1, 1], strides = [1, 1]} : vector<640x1xi32> to vector<1x1xi32>
    %slice3A_697 = vector.extract_strided_slice %min3A_695 {offsets = [0, 0], sizes = [639, 1], strides = [1, 1]} : vector<640x1xi32> to vector<639x1xi32>
    %concatenate3A_698 = tpu.concatenate %slice3A_696, %slice3A_697 in 0 : vector<1x1xi32>, vector<639x1xi32> -> vector<640x1xi32>
    %slice3A_699 = vector.extract_strided_slice %broadcast_in_dim3A_688 {offsets = [639, 0], sizes = [1, 1], strides = [1, 1]} : vector<640x1xf32> to vector<1x1xf32>
    %slice3A_700 = vector.extract_strided_slice %broadcast_in_dim3A_688 {offsets = [0, 0], sizes = [639, 1], strides = [1, 1]} : vector<640x1xf32> to vector<639x1xf32>
    %concatenate3A_701 = tpu.concatenate %slice3A_699, %slice3A_700 in 0 : vector<1x1xf32>, vector<639x1xf32> -> vector<640x1xf32>
    %get3A_702 = arith.constant 3840 : index
    %get3A_703 = arith.constant 0 : index
    %get3A_704 = vector.load %arg2[%get3A_702, %get3A_703] : memref<5120x1xi32, #tpu.memory_space<vmem>>, vector<640x1xi32>
    %eq3A_705 = arith.cmpi eq, %min3A_695, %get3A_704 : vector<640x1xi32>
    %select_n3A_706 = arith.select %eq3A_705, %concatenate3A_698, %min3A_695 : vector<640x1xi1>, vector<640x1xi32>
    %select_n3A_707 = arith.select %eq3A_705, %concatenate3A_701, %broadcast_in_dim3A_688 : vector<640x1xi1>, vector<640x1xf32>
    %shift_right_arithmetic3A_708 = arith.constant 1 : i32
    %shift_right_arithmetic3A_709 = vector.broadcast %shift_right_arithmetic3A_708 : i32 to vector<640x1xi32>
    %shift_right_arithmetic3A_710 = arith.shrsi %select_n3A_706, %shift_right_arithmetic3A_709 : vector<640x1xi32>
    %swap3A_711 = arith.constant 3840 : index
    %swap3A_712 = arith.constant 0 : index
    %swap3A_713 = vector.load %arg4[%swap3A_711, %swap3A_712] : memref<5120x1xi32, #tpu.memory_space<vmem>>, vector<640x1xi32>
    tpu.vector_store %arg4[%swap3A_711, %swap3A_712], %shift_right_arithmetic3A_710 {strides = array<i32>} : memref<5120x1xi32, #tpu.memory_space<vmem>>, vector<640x1xi32>,
    %and3A_714 = arith.constant 1 : i32
    %and3A_715 = vector.broadcast %and3A_714 : i32 to vector<640x1xi32>
    %and3A_716 = arith.andi %select_n3A_706, %and3A_715 : vector<640x1xi32>
    %swap3A_717 = arith.constant 3840 : index
    %swap3A_718 = arith.constant 0 : index
    %swap3A_719 = vector.load %arg5[%swap3A_717, %swap3A_718] : memref<5120x1xi32, #tpu.memory_space<vmem>>, vector<640x1xi32>
    tpu.vector_store %arg5[%swap3A_717, %swap3A_718], %and3A_716 {strides = array<i32>} : memref<5120x1xi32, #tpu.memory_space<vmem>>, vector<640x1xi32>,
    %max3A_720 = arith.constant 1.000000e-30 : f32
    %max3A_721 = vector.broadcast %max3A_720 : f32 to vector<640x1xf32>
    %max3A_722 = arith.maximumf %select_n3A_707, %max3A_721 : vector<640x1xf32>
    %log3A_723 = math.log %max3A_722 : vector<640x1xf32>
    %sub3A_724 = vector.broadcast %log3A_18 : vector<1x1xf32> to vector<640x1xf32>
    %sub3A_725 = arith.subf %log3A_723, %sub3A_724 : vector<640x1xf32>
    %swap3A_726 = arith.constant 3840 : index
    %swap3A_727 = arith.constant 0 : index
    %swap3A_728 = vector.load %arg6[%swap3A_726, %swap3A_727] : memref<5120x1xf32, #tpu.memory_space<vmem>>, vector<640x1xf32>
    tpu.vector_store %arg6[%swap3A_726, %swap3A_727], %sub3A_725 {strides = array<i32>} : memref<5120x1xf32, #tpu.memory_space<vmem>>, vector<640x1xf32>,
    %slice3A_729 = vector.extract_strided_slice %mul3A_31 {offsets = [4480, 0], sizes = [640, 1], strides = [1, 1]} : vector<5120x1xf32> to vector<640x1xf32>
    %le3A_730 = vector.broadcast %dot_general3A_17 : vector<1x784xf32> to vector<640x784xf32>
    %le3A_731 = vector.broadcast %slice3A_729 : vector<640x1xf32> to vector<640x784xf32>
    %le3A_732 = arith.cmpf ole, %le3A_730, %le3A_731 : vector<640x784xf32>
    %convert_element_type3A_733 = arith.extui %le3A_732 : vector<640x784xi1> to vector<640x784xi32>
    %convert_element_type3A_734 = arith.sitofp %convert_element_type3A_733 : vector<640x784xi32> to vector<640x784xf32>
    %reduce_sum3A_735 = arith.constant dense<0.000000e+00> : vector<640xf32>
    %reduce_sum3A_736 = vector.multi_reduction <add>, %convert_element_type3A_734, %reduce_sum3A_735 [1] : vector<640x784xf32> to vector<640xf32>
    %broadcast_in_dim3A_737 = vector.shape_cast %reduce_sum3A_736 : vector<640xf32> to vector<640x1xf32>
    %convert_element_type3A_738 = arith.fptosi %broadcast_in_dim3A_737 : vector<640x1xf32> to vector<640x1xi32>
    %min3A_739 = arith.constant 781 : i32
    %min3A_740 = vector.broadcast %min3A_739 : i32 to vector<640x1xi32>
    %min3A_741 = arith.minsi %convert_element_type3A_738, %min3A_740 : vector<640x1xi32>
    %jit3A_742 = arith.constant 0.000000e+00 : f32
    %broadcast_in_dim3A_743 = vector.shape_cast %dot_general3A_17 : vector<1x784xf32> to vector<1x784xf32>
    %broadcast_in_dim3A_744 = vector.broadcast %broadcast_in_dim3A_743 : vector<1x784xf32> to vector<640x784xf32>
    %broadcast_in_dim3A_745 = vector.broadcast %jit3A_742 : f32 to vector<640x784xf32>
    %select_n3A_746 = arith.select %le3A_732, %broadcast_in_dim3A_744, %broadcast_in_dim3A_745 : vector<640x784xi1>, vector<640x784xf32>
    %reduce_max3A_747 = arith.constant dense<0xFF800000> : vector<640xf32>
    %reduce_max3A_748 = vector.multi_reduction <maximumf>, %select_n3A_746, %reduce_max3A_747 [1] : vector<640x784xf32> to vector<640xf32>
    %broadcast_in_dim3A_749 = vector.shape_cast %reduce_max3A_748 : vector<640xf32> to vector<640x1xf32>
    %iota3A_750 = tpu.iota {dimensions = array<i32: 1>} : vector<640x784xi32>
    %eq3A_751 = vector.broadcast %min3A_741 : vector<640x1xi32> to vector<640x784xi32>
    %eq3A_752 = arith.cmpi eq, %iota3A_750, %eq3A_751 : vector<640x784xi32>
    %convert_element_type3A_753 = arith.extui %eq3A_752 : vector<640x784xi1> to vector<640x784xi32>
    %convert_element_type3A_754 = arith.sitofp %convert_element_type3A_753 : vector<640x784xi32> to vector<640x784xf32>
    %dot_general3A_755 = arith.constant dense<0.000000e+00> : vector<640x128xf32>
    %dot_general3A_756 = tpu.matmul %convert_element_type3A_754, %select_n3A_8, %dot_general3A_755 {dimension_numbers = #tpu.dot_dimension_numbers<[1], [0], [0], [1], [0, 0, 1, 1], [], []>, transpose_lhs_hint = false} : vector<640x784xf32>, vector<784x128xf32>, vector<640x128xf32> -> vector<640x128xf32>
    %sub3A_757 = arith.subf %slice3A_729, %broadcast_in_dim3A_749 : vector<640x1xf32>
    %dot_general3A_758 = arith.constant dense<0.000000e+00> : vector<640x128xf32>
    %dot_general3A_759 = tpu.matmul %dot_general3A_756, %convert_element_type3A_23, %dot_general3A_758 {dimension_numbers = #tpu.dot_dimension_numbers<[1], [0], [0], [1], [0, 0, 1, 1], [], []>, transpose_lhs_hint = false} : vector<640x128xf32>, vector<128x128xf32>, vector<640x128xf32> -> vector<640x128xf32>
    %le3A_760 = vector.broadcast %sub3A_757 : vector<640x1xf32> to vector<640x128xf32>
    %le3A_761 = arith.cmpf ole, %dot_general3A_759, %le3A_760 : vector<640x128xf32>
    %convert_element_type3A_762 = arith.extui %le3A_761 : vector<640x128xi1> to vector<640x128xi32>
    %convert_element_type3A_763 = arith.sitofp %convert_element_type3A_762 : vector<640x128xi32> to vector<640x128xf32>
    %reduce_sum3A_764 = arith.constant dense<0.000000e+00> : vector<640xf32>
    %reduce_sum3A_765 = vector.multi_reduction <add>, %convert_element_type3A_763, %reduce_sum3A_764 [1] : vector<640x128xf32> to vector<640xf32>
    %broadcast_in_dim3A_766 = vector.shape_cast %reduce_sum3A_765 : vector<640xf32> to vector<640x1xf32>
    %convert_element_type3A_767 = arith.fptosi %broadcast_in_dim3A_766 : vector<640x1xf32> to vector<640x1xi32>
    %gt3A_768 = arith.constant 0.000000e+00 : f32
    %gt3A_769 = vector.broadcast %gt3A_768 : f32 to vector<640x128xf32>
    %gt3A_770 = arith.cmpf ogt, %dot_general3A_756, %gt3A_769 : vector<640x128xf32>
    %convert_element_type3A_771 = arith.extui %gt3A_770 : vector<640x128xi1> to vector<640x128xi32>
    %convert_element_type3A_772 = arith.sitofp %convert_element_type3A_771 : vector<640x128xi32> to vector<640x128xf32>
    %reduce_sum3A_773 = arith.constant dense<0.000000e+00> : vector<640xf32>
    %reduce_sum3A_774 = vector.multi_reduction <add>, %convert_element_type3A_772, %reduce_sum3A_773 [1] : vector<640x128xf32> to vector<640xf32>
    %broadcast_in_dim3A_775 = vector.shape_cast %reduce_sum3A_774 : vector<640xf32> to vector<640x1xf32>
    %convert_element_type3A_776 = arith.fptosi %broadcast_in_dim3A_775 : vector<640x1xf32> to vector<640x1xi32>
    %sub3A_777 = arith.constant 1 : i32
    %sub3A_778 = vector.broadcast %sub3A_777 : i32 to vector<640x1xi32>
    %sub3A_779 = arith.subi %convert_element_type3A_776, %sub3A_778 : vector<640x1xi32>
    %min3A_780 = arith.minsi %convert_element_type3A_767, %sub3A_779 : vector<640x1xi32>
    %iota3A_781 = tpu.iota {dimensions = array<i32: 1>} : vector<640x128xi32>
    %eq3A_782 = vector.broadcast %min3A_780 : vector<640x1xi32> to vector<640x128xi32>
    %eq3A_783 = arith.cmpi eq, %iota3A_781, %eq3A_782 : vector<640x128xi32>
    %convert_element_type3A_784 = arith.extui %eq3A_783 : vector<640x128xi1> to vector<640x128xi32>
    %convert_element_type3A_785 = arith.sitofp %convert_element_type3A_784 : vector<640x128xi32> to vector<640x128xf32>
    %mul3A_786 = arith.mulf %dot_general3A_756, %convert_element_type3A_785 : vector<640x128xf32>
    %reduce_sum3A_787 = arith.constant dense<0.000000e+00> : vector<640xf32>
    %reduce_sum3A_788 = vector.multi_reduction <add>, %mul3A_786, %reduce_sum3A_787 [1] : vector<640x128xf32> to vector<640xf32>
    %broadcast_in_dim3A_789 = vector.shape_cast %reduce_sum3A_788 : vector<640xf32> to vector<640x1xf32>
    %mul3A_790 = arith.constant 128 : i32
    %mul3A_791 = vector.broadcast %mul3A_790 : i32 to vector<640x1xi32>
    %mul3A_792 = arith.muli %min3A_741, %mul3A_791 : vector<640x1xi32>
    %add3A_793 = arith.addi %mul3A_792, %min3A_780 : vector<640x1xi32>
    %min3A_794 = arith.constant 99999 : i32
    %min3A_795 = vector.broadcast %min3A_794 : i32 to vector<640x1xi32>
    %min3A_796 = arith.minsi %add3A_793, %min3A_795 : vector<640x1xi32>
    %slice3A_797 = vector.extract_strided_slice %min3A_796 {offsets = [639, 0], sizes = [1, 1], strides = [1, 1]} : vector<640x1xi32> to vector<1x1xi32>
    %slice3A_798 = vector.extract_strided_slice %min3A_796 {offsets = [0, 0], sizes = [639, 1], strides = [1, 1]} : vector<640x1xi32> to vector<639x1xi32>
    %concatenate3A_799 = tpu.concatenate %slice3A_797, %slice3A_798 in 0 : vector<1x1xi32>, vector<639x1xi32> -> vector<640x1xi32>
    %slice3A_800 = vector.extract_strided_slice %broadcast_in_dim3A_789 {offsets = [639, 0], sizes = [1, 1], strides = [1, 1]} : vector<640x1xf32> to vector<1x1xf32>
    %slice3A_801 = vector.extract_strided_slice %broadcast_in_dim3A_789 {offsets = [0, 0], sizes = [639, 1], strides = [1, 1]} : vector<640x1xf32> to vector<639x1xf32>
    %concatenate3A_802 = tpu.concatenate %slice3A_800, %slice3A_801 in 0 : vector<1x1xf32>, vector<639x1xf32> -> vector<640x1xf32>
    %get3A_803 = arith.constant 4480 : index
    %get3A_804 = arith.constant 0 : index
    %get3A_805 = vector.load %arg2[%get3A_803, %get3A_804] : memref<5120x1xi32, #tpu.memory_space<vmem>>, vector<640x1xi32>
    %eq3A_806 = arith.cmpi eq, %min3A_796, %get3A_805 : vector<640x1xi32>
    %select_n3A_807 = arith.select %eq3A_806, %concatenate3A_799, %min3A_796 : vector<640x1xi1>, vector<640x1xi32>
    %select_n3A_808 = arith.select %eq3A_806, %concatenate3A_802, %broadcast_in_dim3A_789 : vector<640x1xi1>, vector<640x1xf32>
    %shift_right_arithmetic3A_809 = arith.constant 1 : i32
    %shift_right_arithmetic3A_810 = vector.broadcast %shift_right_arithmetic3A_809 : i32 to vector<640x1xi32>
    %shift_right_arithmetic3A_811 = arith.shrsi %select_n3A_807, %shift_right_arithmetic3A_810 : vector<640x1xi32>
    %swap3A_812 = arith.constant 4480 : index
    %swap3A_813 = arith.constant 0 : index
    %swap3A_814 = vector.load %arg4[%swap3A_812, %swap3A_813] : memref<5120x1xi32, #tpu.memory_space<vmem>>, vector<640x1xi32>
    tpu.vector_store %arg4[%swap3A_812, %swap3A_813], %shift_right_arithmetic3A_811 {strides = array<i32>} : memref<5120x1xi32, #tpu.memory_space<vmem>>, vector<640x1xi32>,
    %and3A_815 = arith.constant 1 : i32
    %and3A_816 = vector.broadcast %and3A_815 : i32 to vector<640x1xi32>
    %and3A_817 = arith.andi %select_n3A_807, %and3A_816 : vector<640x1xi32>
    %swap3A_818 = arith.constant 4480 : index
    %swap3A_819 = arith.constant 0 : index
    %swap3A_820 = vector.load %arg5[%swap3A_818, %swap3A_819] : memref<5120x1xi32, #tpu.memory_space<vmem>>, vector<640x1xi32>
    tpu.vector_store %arg5[%swap3A_818, %swap3A_819], %and3A_817 {strides = array<i32>} : memref<5120x1xi32, #tpu.memory_space<vmem>>, vector<640x1xi32>,
    %max3A_821 = arith.constant 1.000000e-30 : f32
    %max3A_822 = vector.broadcast %max3A_821 : f32 to vector<640x1xf32>
    %max3A_823 = arith.maximumf %select_n3A_808, %max3A_822 : vector<640x1xf32>
    %log3A_824 = math.log %max3A_823 : vector<640x1xf32>
    %sub3A_825 = vector.broadcast %log3A_18 : vector<1x1xf32> to vector<640x1xf32>
    %sub3A_826 = arith.subf %log3A_824, %sub3A_825 : vector<640x1xf32>
    %swap3A_827 = arith.constant 4480 : index
    %swap3A_828 = arith.constant 0 : index
    %swap3A_829 = vector.load %arg6[%swap3A_827, %swap3A_828] : memref<5120x1xf32, #tpu.memory_space<vmem>>, vector<640x1xf32>
    tpu.vector_store %arg6[%swap3A_827, %swap3A_828], %sub3A_826 {strides = array<i32>} : memref<5120x1xf32, #tpu.memory_space<vmem>>, vector<640x1xf32>,
    %get3A_830 = arith.constant 0 : index
    %get3A_831 = arith.constant 0 : index
    %get3A_832 = vector.load %arg1[%get3A_830, %get3A_831] : memref<1024x1xi32, #tpu.memory_space<vmem>>, vector<1024x1xi32>
    %jit3A_833 = arith.constant 128 : i32
    %div3A = vector.broadcast %jit3A_833 : i32 to vector<1024x1xi32>
    %div3A_834 = arith.divsi %get3A_832, %div3A : vector<1024x1xi32>
    %sign3A = arith.constant 0 : i32
    %sign3A_835 = vector.broadcast %sign3A : i32 to vector<1024x1xi32>
    %sign3A_836 = arith.cmpi sgt, %get3A_832, %sign3A_835 : vector<1024x1xi32>
    %sign3A_837 = arith.extui %sign3A_836 : vector<1024x1xi1> to vector<1024x1xi32>
    %sign3A_838 = arith.constant 0 : i32
    %sign3A_839 = vector.broadcast %sign3A_838 : i32 to vector<1024x1xi32>
    %sign3A_840 = arith.cmpi slt, %get3A_832, %sign3A_839 : vector<1024x1xi32>
    %sign3A_841 = arith.extui %sign3A_840 : vector<1024x1xi1> to vector<1024x1xi32>
    %sign3A_842 = arith.subi %sign3A_837, %sign3A_841 : vector<1024x1xi32>
    %sign3A_843 = arith.constant 0 : i32
    %sign3A_844 = arith.cmpi sgt, %jit3A_833, %sign3A_843 : i32
    %sign3A_845 = arith.extui %sign3A_844 : i1 to i32
    %sign3A_846 = arith.constant 0 : i32
    %sign3A_847 = arith.cmpi slt, %jit3A_833, %sign3A_846 : i32
    %sign3A_848 = arith.extui %sign3A_847 : i1 to i32
    %sign3A_849 = arith.subi %sign3A_845, %sign3A_848 : i32
    %ne3A = vector.broadcast %sign3A_849 : i32 to vector<1024x1xi32>
    %ne3A_850 = arith.cmpi ne, %sign3A_842, %ne3A : vector<1024x1xi32>
    %rem3A = vector.broadcast %jit3A_833 : i32 to vector<1024x1xi32>
    %rem3A_851 = arith.remsi %get3A_832, %rem3A : vector<1024x1xi32>
    %ne3A_852 = arith.constant 0 : i32
    %ne3A_853 = vector.broadcast %ne3A_852 : i32 to vector<1024x1xi32>
    %ne3A_854 = arith.cmpi ne, %rem3A_851, %ne3A_853 : vector<1024x1xi32>
    %and3A_855 = arith.andi %ne3A_850, %ne3A_854 : vector<1024x1xi1>
    %sub3A_856 = arith.constant 1 : i32
    %sub3A_857 = vector.broadcast %sub3A_856 : i32 to vector<1024x1xi32>
    %sub3A_858 = arith.subi %div3A_834, %sub3A_857 : vector<1024x1xi32>
    %select_n3A_859 = arith.select %and3A_855, %sub3A_858, %div3A_834 : vector<1024x1xi1>, vector<1024x1xi32>
    %mul3A_860 = arith.constant 128 : i32
    %mul3A_861 = vector.broadcast %mul3A_860 : i32 to vector<1024x1xi32>
    %mul3A_862 = arith.muli %select_n3A_859, %mul3A_861 : vector<1024x1xi32>
    %sub3A_863 = arith.subi %get3A_832, %mul3A_862 : vector<1024x1xi32>
    %iota3A_864 = tpu.iota {dimensions = array<i32: 1>} : vector<1024x784xi32>
    %eq3A_865 = vector.broadcast %select_n3A_859 : vector<1024x1xi32> to vector<1024x784xi32>
    %eq3A_866 = arith.cmpi eq, %iota3A_864, %eq3A_865 : vector<1024x784xi32>
    %convert_element_type3A_867 = arith.extui %eq3A_866 : vector<1024x784xi1> to vector<1024x784xi32>
    %convert_element_type3A_868 = arith.sitofp %convert_element_type3A_867 : vector<1024x784xi32> to vector<1024x784xf32>
    %dot_general3A_869 = arith.constant dense<0.000000e+00> : vector<1024x128xf32>
    %dot_general3A_870 = tpu.matmul %convert_element_type3A_868, %select_n3A_8, %dot_general3A_869 {dimension_numbers = #tpu.dot_dimension_numbers<[1], [0], [0], [1], [0, 0, 1, 1], [], []>, transpose_lhs_hint = false} : vector<1024x784xf32>, vector<784x128xf32>, vector<1024x128xf32> -> vector<1024x128xf32>
    %iota3A_871 = tpu.iota {dimensions = array<i32: 1>} : vector<1024x128xi32>
    %eq3A_872 = vector.broadcast %sub3A_863 : vector<1024x1xi32> to vector<1024x128xi32>
    %eq3A_873 = arith.cmpi eq, %iota3A_871, %eq3A_872 : vector<1024x128xi32>
    %convert_element_type3A_874 = arith.extui %eq3A_873 : vector<1024x128xi1> to vector<1024x128xi32>
    %convert_element_type3A_875 = arith.sitofp %convert_element_type3A_874 : vector<1024x128xi32> to vector<1024x128xf32>
    %mul3A_876 = arith.mulf %dot_general3A_870, %convert_element_type3A_875 : vector<1024x128xf32>
    %reduce_sum3A_877 = arith.constant dense<0.000000e+00> : vector<1024xf32>
    %reduce_sum3A_878 = vector.multi_reduction <add>, %mul3A_876, %reduce_sum3A_877 [1] : vector<1024x128xf32> to vector<1024xf32>
    %broadcast_in_dim3A_879 = vector.shape_cast %reduce_sum3A_878 : vector<1024xf32> to vector<1024x1xf32>
    %max3A_880 = arith.constant 1.000000e-30 : f32
    %max3A_881 = vector.broadcast %max3A_880 : f32 to vector<1024x1xf32>
    %max3A_882 = arith.maximumf %broadcast_in_dim3A_879, %max3A_881 : vector<1024x1xf32>
    %log3A_883 = math.log %max3A_882 : vector<1024x1xf32>
    %sub3A_884 = vector.broadcast %log3A_18 : vector<1x1xf32> to vector<1024x1xf32>
    %sub3A_885 = arith.subf %log3A_883, %sub3A_884 : vector<1024x1xf32>
    %get3A_886 = arith.constant 0 : index
    %get3A_887 = arith.constant 0 : index
    %get3A_888 = vector.load %arg3[%get3A_886, %get3A_887] : memref<1024x1xf32, #tpu.memory_space<vmem>>, vector<1024x1xf32>
    %mul3A_889 = arith.constant 5.000000e+00 : f32
    %mul3A_890 = vector.broadcast %mul3A_889 : f32 to vector<1024x1xf32>
    %mul3A_891 = arith.mulf %mul3A_890, %sub3A_885 : vector<1024x1xf32>
    %sub3A_892 = arith.subf %get3A_888, %mul3A_891 : vector<1024x1xf32>
    %max3A_893 = arith.constant 0.000000e+00 : f32
    %max3A_894 = vector.broadcast %max3A_893 : f32 to vector<1024x1xf32>
    %max3A_895 = arith.maximumf %sub3A_892, %max3A_894 : vector<1024x1xf32>
    %sub3A_896 = arith.subf %max3A_895, %sub3A_892 : vector<1024x1xf32>
    %abs3A = math.absf %sub3A_892 : vector<1024x1xf32>
    %neg3A = arith.constant 0.000000e+00 : f32
    %neg3A_897 = vector.broadcast %neg3A : f32 to vector<1024x1xf32>
    %neg3A_898 = arith.subf %neg3A_897, %abs3A : vector<1024x1xf32>
    %exp3A_899 = math.exp %neg3A_898 : vector<1024x1xf32>
    %add3A_900 = arith.constant 1.000000e+00 : f32
    %add3A_901 = vector.broadcast %add3A_900 : f32 to vector<1024x1xf32>
    %add3A_902 = arith.addf %add3A_901, %exp3A_899 : vector<1024x1xf32>
    %log3A_903 = math.log %add3A_902 : vector<1024x1xf32>
    %add3A_904 = arith.addf %sub3A_896, %log3A_903 : vector<1024x1xf32>
    %reduce_sum3A_905 = arith.constant dense<0.000000e+00> : vector<1xf32>
    %reduce_sum3A_906 = vector.multi_reduction <add>, %add3A_904, %reduce_sum3A_905 [0] : vector<1024x1xf32> to vector<1xf32>
    %broadcast_in_dim3A_907 = vector.shape_cast %reduce_sum3A_906 : vector<1xf32> to vector<1x1xf32>
    %mul3A_908 = arith.constant 9.765625E-4 : f32
    %mul3A_909 = vector.broadcast %mul3A_908 : f32 to vector<1x1xf32>
    %mul3A_910 = arith.mulf %broadcast_in_dim3A_907, %mul3A_909 : vector<1x1xf32>
    %swap3A_911 = arith.constant 0 : index
    %swap3A_912 = arith.constant 0 : index
    %swap3A_913 = vector.load %arg7[%swap3A_911, %swap3A_912] : memref<1x1xf32, #tpu.memory_space<vmem>>, vector<1x1xf32>
    tpu.vector_store %arg7[%swap3A_911, %swap3A_912], %mul3A_910 {strides = array<i32>} : memref<1x1xf32, #tpu.memory_space<vmem>>, vector<1x1xf32>,
    return
  }
}

module attributes {stable_mosaic.version = 14 : i64} {
  func.func @_loss_body(%arg0: memref<5120x128xf32, #tpu.memory_space<vmem>>, %arg1: memref<5120x128xf32, #tpu.memory_space<vmem>>, %arg2: memref<5120x1xi32, #tpu.memory_space<vmem>>, %arg3: memref<5120x1xi32, #tpu.memory_space<vmem>>, %arg4: memref<5120x1xf32, #tpu.memory_space<vmem>>, %arg5: memref<1x1xf32, #tpu.memory_space<vmem>>, %arg6: memref<1x1xf32, #tpu.memory_space<vmem>>) attributes {dimension_semantics = [], scalar_prefetch = 0 : i64, scratch_operands = 0 : i64, tpu.core_type = #tpu.core_type<tc>} {
    %get3A = arith.constant 0 : index
    %get3A_0 = arith.constant 0 : index
    %get3A_1 = vector.load %arg2[%get3A, %get3A_0] : memref<5120x1xi32, #tpu.memory_space<vmem>>, vector<5120x1xi32>
    %eq3A = arith.constant 1 : i32
    %eq3A_2 = vector.broadcast %eq3A : i32 to vector<5120x1xi32>
    %eq3A_3 = arith.cmpi eq, %get3A_1, %eq3A_2 : vector<5120x1xi32>
    %get3A_4 = arith.constant 0 : index
    %get3A_5 = arith.constant 64 : index
    %get3A_6 = vector.load %arg0[%get3A_4, %get3A_5] : memref<5120x128xf32, #tpu.memory_space<vmem>>, vector<5120x64xf32>
    %get3A_7 = arith.constant 0 : index
    %get3A_8 = arith.constant 0 : index
    %get3A_9 = vector.load %arg0[%get3A_7, %get3A_8] : memref<5120x128xf32, #tpu.memory_space<vmem>>, vector<5120x64xf32>
    %broadcast_in_dim3A = vector.shape_cast %eq3A_3 : vector<5120x1xi1> to vector<5120x1xi1>
    %broadcast_in_dim3A_10 = vector.broadcast %broadcast_in_dim3A : vector<5120x1xi1> to vector<5120x64xi1>
    %select_n3A = arith.select %broadcast_in_dim3A_10, %get3A_6, %get3A_9 : vector<5120x64xi1>, vector<5120x64xf32>
    %get3A_11 = arith.constant 0 : index
    %get3A_12 = arith.constant 0 : index
    %get3A_13 = vector.load %arg3[%get3A_11, %get3A_12] : memref<5120x1xi32, #tpu.memory_space<vmem>>, vector<5120x1xi32>
    %eq3A_14 = arith.constant 1 : i32
    %eq3A_15 = vector.broadcast %eq3A_14 : i32 to vector<5120x1xi32>
    %eq3A_16 = arith.cmpi eq, %get3A_13, %eq3A_15 : vector<5120x1xi32>
    %get3A_17 = arith.constant 0 : index
    %get3A_18 = arith.constant 64 : index
    %get3A_19 = vector.load %arg1[%get3A_17, %get3A_18] : memref<5120x128xf32, #tpu.memory_space<vmem>>, vector<5120x64xf32>
    %get3A_20 = arith.constant 0 : index
    %get3A_21 = arith.constant 0 : index
    %get3A_22 = vector.load %arg1[%get3A_20, %get3A_21] : memref<5120x128xf32, #tpu.memory_space<vmem>>, vector<5120x64xf32>
    %broadcast_in_dim3A_23 = vector.shape_cast %eq3A_16 : vector<5120x1xi1> to vector<5120x1xi1>
    %broadcast_in_dim3A_24 = vector.broadcast %broadcast_in_dim3A_23 : vector<5120x1xi1> to vector<5120x64xi1>
    %select_n3A_25 = arith.select %broadcast_in_dim3A_24, %get3A_19, %get3A_22 : vector<5120x64xi1>, vector<5120x64xf32>
    %mul3A = arith.mulf %select_n3A, %select_n3A_25 : vector<5120x64xf32>
    %reduce_sum3A = arith.constant dense<0.000000e+00> : vector<5120xf32>
    %reduce_sum3A_26 = vector.multi_reduction <add>, %mul3A, %reduce_sum3A [1] : vector<5120x64xf32> to vector<5120xf32>
    %broadcast_in_dim3A_27 = vector.shape_cast %reduce_sum3A_26 : vector<5120xf32> to vector<5120x1xf32>
    %get3A_28 = arith.constant 0 : index
    %get3A_29 = arith.constant 0 : index
    %get3A_30 = vector.load %arg4[%get3A_28, %get3A_29] : memref<5120x1xf32, #tpu.memory_space<vmem>>, vector<5120x1xf32>
    %mul3A_31 = arith.constant 5.000000e+00 : f32
    %mul3A_32 = vector.broadcast %mul3A_31 : f32 to vector<5120x1xf32>
    %mul3A_33 = arith.mulf %mul3A_32, %get3A_30 : vector<5120x1xf32>
    %sub3A = arith.subf %broadcast_in_dim3A_27, %mul3A_33 : vector<5120x1xf32>
    %max3A = arith.constant 0.000000e+00 : f32
    %max3A_34 = vector.broadcast %max3A : f32 to vector<5120x1xf32>
    %max3A_35 = arith.maximumf %sub3A, %max3A_34 : vector<5120x1xf32>
    %abs3A = math.absf %sub3A : vector<5120x1xf32>
    %neg3A = arith.constant 0.000000e+00 : f32
    %neg3A_36 = vector.broadcast %neg3A : f32 to vector<5120x1xf32>
    %neg3A_37 = arith.subf %neg3A_36, %abs3A : vector<5120x1xf32>
    %exp3A = math.exp %neg3A_37 : vector<5120x1xf32>
    %add3A = arith.constant 1.000000e+00 : f32
    %add3A_38 = vector.broadcast %add3A : f32 to vector<5120x1xf32>
    %add3A_39 = arith.addf %add3A_38, %exp3A : vector<5120x1xf32>
    %log3A = math.log %add3A_39 : vector<5120x1xf32>
    %add3A_40 = arith.addf %max3A_35, %log3A : vector<5120x1xf32>
    %reduce_sum3A_41 = arith.constant dense<0.000000e+00> : vector<1xf32>
    %reduce_sum3A_42 = vector.multi_reduction <add>, %add3A_40, %reduce_sum3A_41 [0] : vector<5120x1xf32> to vector<1xf32>
    %broadcast_in_dim3A_43 = vector.shape_cast %reduce_sum3A_42 : vector<1xf32> to vector<1x1xf32>
    %mul3A_44 = arith.constant 1.95312503E-4 : f32
    %mul3A_45 = vector.broadcast %mul3A_44 : f32 to vector<1x1xf32>
    %mul3A_46 = arith.mulf %broadcast_in_dim3A_43, %mul3A_45 : vector<1x1xf32>
    %get3A_47 = arith.constant 0 : index
    %get3A_48 = arith.constant 0 : index
    %get3A_49 = vector.load %arg5[%get3A_47, %get3A_48] : memref<1x1xf32, #tpu.memory_space<vmem>>, vector<1x1xf32>
    %mul3A_50 = arith.constant 5.000000e+00 : f32
    %mul3A_51 = vector.broadcast %mul3A_50 : f32 to vector<1x1xf32>
    %mul3A_52 = arith.mulf %mul3A_51, %mul3A_46 : vector<1x1xf32>
    %add3A_53 = arith.addf %get3A_49, %mul3A_52 : vector<1x1xf32>
    %swap3A = arith.constant 0 : index
    %swap3A_54 = arith.constant 0 : index
    %swap3A_55 = vector.load %arg6[%swap3A, %swap3A_54] : memref<1x1xf32, #tpu.memory_space<vmem>>, vector<1x1xf32>
    tpu.vector_store %arg6[%swap3A, %swap3A_54], %add3A_53 {strides = array<i32>} : memref<1x1xf32, #tpu.memory_space<vmem>>, vector<1x1xf32>,
    return
  }
}

</mosaic_0001>

<sc_bundles>
// kernel: sc_gather_wx.3.cloned.1.call-start
scs
__scs_entry_jumppad:
0x0: {  	(pc) =	sbr.rel $0x88, $3  }
0x1: {  	(tag) =	ssettag $0x0;
	lr =	simm.s32 $0x1  }
0x2: {  	[smem:$0x3F9B] =	sst lr;
	_ =	strace $0xD0000000  }
0x3: {  	_ = 	snop  }
0x4: {  	_ = 	snop  }
0x5: {  	_ = 	snop  }
0x6: {  	_ = 	snop  }
0x7: {  	_ = 	snop  }
__scs_overlays_trampoline_lowered:
0x8: {  	[smem:$0x3FAA] =	sst s0  }
0x9: {  	[smem:$0x3FAB] =	sst s1  }
0xa: {  	[smem:$0x3FAC] =	sst s2  }
0xb: {  	[smem:$0x3FAD] =	sst s3  }
0xc: {  	[smem:$0x3FAE] =	sst s4  }
0xd: {  	[smem:$0x3FAF] =	sst s5  }
0xe: {  	[smem:$0x3FB0] =	sst s6  }
0xf: {  	[smem:$0x3FB1] =	sst s7  }
0x10: {  	[smem:$0x3FB2] =	sst s8  }
0x11: {  	[smem:$0x3FB3] =	sst s9;
	s0 =	simm.s32 @!p0 $0x0  }
0x12: {  	s1 =	sld [smem:$0x3F99];
	s0 =	simm.s32 @p0 $0x1  }
0x13: {  	[smem:$0x3FB4] =	sst s0;
	s0 =	simm.s32 @!p1 $0x0  }
0x14: {  	s2 =	sld [smem:$0x3F98];
	s0 =	simm.s32 @p1 $0x1  }
0x15: {  	[smem:$0x3FB5] =	sst s0;
	s0 =	simm.s32 @!p2 $0x0  }
0x16: {  	s3 =	sld [smem:$0x3FDB];
	s0 =	simm.s32 @p2 $0x1  }
0x17: {  	s4 =	simm.s32 $0x1BF5;
	[smem:$0x3FB7] =	sst s0  }
0x18: {  	s0 =	sld [smem:$0x3F9A];
	_ =	swait.ge [sflag:s4], $0x0  }
0x19: {  	s7 =	sld [smem:$0x3F9B]  }
0x1a: {  	s8 =	sadd.s32 $0xFFFFE003, lr  }
0x1b: {  	s9 =	sadd.s32 $0xFFFFFEF7, lr;
	s5 =	simm.s32 $0xFFFFFFFF;
	p2 =	slt.u32 s8, $0xFFFFF086  }
0x1c: {  	p1 =	slt.u32 s9, $0xF7A;
	s5 =	simm.s32 @!p2 $0x0  }
0x1d: {  	s5 =	simm.s32 @p1 $0x1;
	p0 =	seq.s32 s7, s2  }
0x1e: {  	s7 =	smul.u32 @!p0 $0xF7A, s2;
	p2 =	seq.s32 @!p0 s5, $0x0  }
0x1f: {  	s9 =	smul.u32 $0xF7A, s1;
	s8 =	simm.s32 @!p0 $0x1BF5;
	p2 =	por !p2, p0  }
0x20: {  	[sflag:s8] =	ssyncset.s32 @!p0 $0xFFFFF086;
	s6 =	sadd.s32 @!p0 s3, s7;
	s7 =	simm.s32 @!p0 $0x108  }
0x21: {  	s3 =	sadd.s32 s3, s9;
	s6 =	sadd.s32 @!p0 $0x88, s6;
	s7 =	simm.s32 @p2 $0x1082  }
0x22: {  	[simem:s7], [sflag:s8] =	dma.local @!p0 [hbm:s6], $0xF7A  }
0x23: {  	s9 =	sor.u32 $0xD0000000, s2;
	s6 =	simm.s32 $0x108;
	_ =	swait.ge @!p0 [sflag:s8], $0x0  }
0x24: {  	s3 =	sadd.s32 $0x88, s3;
	s6 =	simm.s32 @!p1 $0x1082;
	[sflag:s4] =	ssyncset.s32 $0xFFFFF086  }
0x25: {  	[simem:s6], [sflag:s4] =	dma.local [hbm:s3], $0xF7A  }
0x26: {  	[smem:$0x3F9B] =	sst s1;
	(tag) =	ssettag s2;
	_ =	strace s9  }
0x27: {  	s1 =	sld [smem:$0x3FAB]  }
0x28: {  	s2 =	sld [smem:$0x3FAC]  }
0x29: {  	s4 =	sld [smem:$0x3FAE]  }
0x2a: {  	p0 =	seq.s32 s5, $0x0;
	s5 =	sld [smem:$0x3FAF]  }
0x2b: {  	s6 =	sld [smem:$0x3FB0]  }
0x2c: {  	s7 =	sld [smem:$0x3FB1]  }
0x2d: {  	s3 =	simm.s32 $0x108;
	s8 =	sld [smem:$0x3FB2]  }
0x2e: {  	s3 =	simm.s32 @!p0 $0x1082;
	s9 =	sld [smem:$0x3FB3]  }
0x2f: {  	lr =	sadd.s32 s0, s3;
	s0 =	sld [smem:$0x3FAA]  }
0x30: {  	s3 =	sld [smem:$0x3FAD]  }
0x31: {  	[smem:$0x3FB6] =	sst s10  }
0x32: {  	s10 =	sld [smem:$0x3FB4];
	_ =	sdelay $0x3  }
0x33: {  	p0 =	seq.s32 s10, $0x1;
	s10 =	sld [smem:$0x3FB6];
	_ =	sdelay $0x3  }
0x34: {  	[smem:$0x3FB6] =	sst s10  }
0x35: {  	s10 =	sld [smem:$0x3FB5];
	_ =	sdelay $0x3  }
0x36: {  	p1 =	seq.s32 s10, $0x1;
	s10 =	sld [smem:$0x3FB6];
	_ =	sdelay $0x3  }
0x37: {  	[smem:$0x3FB6] =	sst s10  }
0x38: {  	s10 =	sld [smem:$0x3FB7]  }
0x39: {  	_ = 	snop;
	(pc) =	sbr.ind lr, $3  }
0x3a: {  	_ = 	snop  }
0x3b: {  	_ = 	snop  }
0x3c: {  	p2 =	seq.s32 s10, $0x1;
	s10 =	sld [smem:$0x3FB6]  }
0x3d: {  	_ =	shalt  }
0x3e: {  	_ =	shalt  }
0x3f: {  	_ =	shalt  }
0x40: {  	_ =	shalt  }
0x41: {  	_ =	shalt  }
0x42: {  	_ =	shalt  }
0x43: {  	_ =	shalt  }
0x44: {  	_ =	shalt  }
0x45: {  	_ =	shalt  }
0x46: {  	_ =	shalt  }
0x47: {  	_ =	shalt  }
0x48: {  	_ =	shalt  }
0x49: {  	_ =	shalt  }
0x4a: {  	_ =	shalt  }
0x4b: {  	_ =	shalt  }
0x4c: {  	_ =	shalt  }
0x4d: {  	_ =	shalt  }
0x4e: {  	_ =	shalt  }
0x4f: {  	_ =	shalt  }
0x50: {  	_ =	shalt  }
0x51: {  	_ =	shalt  }
0x52: {  	_ =	shalt  }
0x53: {  	_ =	shalt  }
0x54: {  	_ =	shalt  }
0x55: {  	_ =	shalt  }
0x56: {  	_ =	shalt  }
0x57: {  	_ =	shalt  }
0x58: {  	_ =	shalt  }
0x59: {  	_ =	shalt  }
0x5a: {  	_ =	shalt  }
0x5b: {  	_ =	shalt  }
0x5c: {  	_ =	shalt  }
0x5d: {  	_ =	shalt  }
0x5e: {  	_ =	shalt  }
0x5f: {  	_ =	shalt  }
0x60: {  	_ =	shalt  }
0x61: {  	_ =	shalt  }
0x62: {  	_ =	shalt  }
0x63: {  	_ =	shalt  }
0x64: {  	_ =	shalt  }
0x65: {  	_ =	shalt  }
0x66: {  	_ =	shalt  }
0x67: {  	_ =	shalt  }
0x68: {  	_ =	shalt  }
0x69: {  	_ =	shalt  }
0x6a: {  	_ =	shalt  }
0x6b: {  	_ =	shalt  }
0x6c: {  	_ =	shalt  }
0x6d: {  	_ =	shalt  }
0x6e: {  	_ =	shalt  }
0x6f: {  	_ =	shalt  }
0x70: {  	_ =	shalt  }
0x71: {  	_ =	shalt  }
0x72: {  	_ =	shalt  }
0x73: {  	_ =	shalt  }
0x74: {  	_ =	shalt  }
0x75: {  	_ =	shalt  }
0x76: {  	_ =	shalt  }
0x77: {  	_ =	shalt  }
0x78: {  	_ =	shalt  }
0x79: {  	_ =	shalt  }
0x7a: {  	_ =	shalt  }
0x7b: {  	_ =	shalt  }
0x7c: {  	_ =	shalt  }
0x7d: {  	_ =	shalt  }
0x7e: {  	_ =	shalt  }
0x7f: {  	_ =	shalt  }
0x80: {  	_ =	shalt  }
0x81: {  	_ =	shalt  }
0x82: {  	_ =	shalt  }
0x83: {  	_ =	shalt  }
0x84: {  	_ =	shalt  }
0x85: {  	_ =	shalt  }
0x86: {  	_ =	shalt  }
0x87: {  	_ =	shalt  }
.Lfunc_end0:
.L_simem_size_0:
called_computation_lowered:
.L_overlay_start_0:
0x88: {  	s2 =	sld [smem:$0x3FD9]  }
0x89: {  	s3 =	sld [smem:$0x3FFE];
	_ =	sdelay $0x1  }
0x8a: {  	s1 =	srdreg.scid  }
0x8b: {  	s0 =	sand.u32 $0x1, s1  }
0x8c: {  	s16 =	sshll.u32 s0, $0xA;
	s2 =	sadd.s32 s3, s2  }
0x8d: {  	s2 =	sadd.s32 s2, s16  }
0x8e: {  	[smem:$0x3FC2] =	sst s2  }
0x8f: {  	_ = 	snop  }
0x90: {  	(tm) =	ssettm $0x1  }
0x91: {  	s17 =	sld [smem:$0x3FFB];
	_ =	sdelay $0x3  }
0x92: {  	_ =	strace s17  }
0x93: {  	s2 =	sld [smem:$0x3FFC];
	_ =	sdelay $0x3  }
0x94: {  	_ =	strace s2  }
0x95: {  	s2 =	sld [smem:$0x3FFD];
	_ =	sdelay $0x3  }
0x96: {  	_ =	strace s2  }
0x97: {  	_ =	strace $0x8FFFFFFF  }
0x98: {  	s18 =	sld [smem:$0x3FDB];
	_ =	sdelay $0x1  }
0x99: {  	s19 =	simm.s32 $_scs_section_size  }
0x9a: {  	s4 =	simm.s32 $_size__tile_overlayer_lowered;
	s5 =	simm.s32 $_tile_overlayer_lowered  }
0x9b: {  	s22 =	simm.s32 $0x1BFF;
	s21 =	sshll.u32 s5, $0x1;
	s2 =	sadd.s32 s19, s18  }
0x9c: {  	s6 =	simm.s32 $0x0;
	s20 =	sshll.u32 s4, $0x1;
	s4 =	sadd.s32 s21, s2  }
0x9d: {  	[timem:s6], [sflag:s22] =	dma.local [hbm:s4], s20  }
0x9e: {  	_ =	swait.ge [sflag:s22], s20  }
0x9f: {  	s3 =	ssub.s32 $0x0, s20;
	[sflag:s22] =	ssyncset.done $0x0  }
0xa0: {  	[sflag:s22] =	ssyncadd.s32 s3;
	_ =	sdelay $0x1  }
0xa1: {  	s23 =	simm.s32 $0x1B8B  }
0xa2: {  	_ =	swait.ge [sflag:s23], $0x1  }
0xa3: {  	[sflag:s23] =	ssyncset.done $0x0  }
0xa4: {  	s25 =	simm.s32 $0x1B8E;
	s24 =	sld [smem:$0x3FFE];
	[sflag:s23] =	ssyncadd.s32 $0xFFFFFFFF  }
0xa5: {  	s26 =	simm.s32 $execute0_lowered;
	[smem:$0x3FD2] =	sst s25  }
0xa6: {  	s4 =	sshll.u32 s26, $0x1;
	_ =	strace $0x80000046;
	[dreg:$0x1] =	wrdreg $0xFFFFFFFF  }
0xa7: {  	s28 =	simm.s32 $_size_execute0_lowered;
	s2 =	sadd.s32 s2, s4;
	[dreg:$0x0] =	wrdreg $0x0  }
0xa8: {  	s4 =	sshll.u32 s28, $0x1;
	[dreg:$0x2] =	wrdreg s2  }
0xa9: {  	[dreg:$0x3] =	wrdreg s4  }
0xaa: {  	[dreg:$0x4] =	wrdreg $0xC0  }
0xab: {  	_ =	task [dreg:s6], $0x5FFFF  }
0xac: {  	[dreg:$0x1] =	wrdreg $0xFFFFFFFF  }
0xad: {  	[dreg:$0x0] =	wrdreg $0x60  }
0xae: {  	[dreg:$0x2] =	wrdreg s24  }
0xaf: {  	[dreg:$0x3] =	wrdreg $0x9  }
0xb0: {  	_ =	task.clear_ibuf [dreg:s6], $0x4FFFF;
	_ =	strace $0x90000046  }
0xb1: {  	s29 =	simm.s32 $0x9;
	_ =	strace $0x80000048  }
0xb2: {  	_ =	swait.ge [sflag:s29], $0x1  }
0xb3: {  	[sflag:s29] =	ssyncadd.s32 $0xFFFFFFFF  }
0xb4: {  	_ =	strace $0x90000048  }
0xb5: {  	_ =	sfence  }
0xb6: {  	s30 =	sld [smem:$0x0];
	_ =	sdelay $0x2  }
0xb7: {  	s31 =	sshll.u32 s1, $0xD;
	s1 =	sshrl.u32 s1, $0x2  }
0xb8: {  	s3 =	sand.u32 $0x4000, s31;
	s1 =	sadd.s32 s1, s30  }
0xb9: {  	s0 =	sor.u32 s3, s0;
	s1 =	sshll.u32 s1, $0x11  }
0xba: {  	s0 =	sor.u32 s1, s0  }
0xbb: {  	s0 =	sadd.s32 $0x8F2B, s0  }
0xbc: {  	[sflag:s0] =	ssyncadd.remote.s32 $0x1  }
0xbd: {  	_ =	sfence.sel $0xFFFF  }
0xbe: {  	[dreg:$0x0] =	wrdreg $0xFFFFFFFF;
	(pc) =	sbr.abs _section_cstart, $3  }
0xbf: {  	[dreg:$0x1] =	wrdreg $0xFFFFFFFF  }
0xc0: {  	_ =	task.clear_ibuf [dreg:s6], $0x2FFFF;
	_ =	strace $0x9FFFFFFF  }
0xc1: {  	(tm) =	ssettm $0x7FFFFFFF  }
tec
execute0_lowered:
.L_overlay_start_1:
0x0: {  	(tag) =	ssettag $0x1  }
0x1: {  	s1 =	srdreg.scid;
	s0 =	stileid.u32  }
0x2: {  	s12 =	sand.u32 $0x1, s1;
	s28 =	sshll.u32 s0, $0x1  }
0x3: {  	s9 =	sor.u32 s12, s28  }
0x4: {  	s10 =	rddreg [dreg:$0x0];
	s11 =	smul.u32 $0xA0, s9  }
0x5: {  	s2 =	simm.s32 $0x0;
	s1 =	rddreg [dreg:$0x1]  }
0x6: {  	[smem:$0x7FF] =	sst s2;
	s13 =	sadd.s32 $0x3000, s10;
	s3 =	sshrl.u32 s11, $0x3  }
0x7: {  	_ =	strace $0x80000047;
	s4 =	sadd.s32 s13, s3;
	s3 =	simm.s32 $0x2  }
0x8: {  	[tilespmem:s2], [sflag:$0x2] =	stream.linear.gather [hbm4b:s4+s2], $0x50, $0x38;
	[tilespmem:$0x2900] =	vst v63  }
0x9: {  	_ =	swait.ge [sflag:s3], $0x50  }
0xa: {  	s6 =	simm.s32 $0x50;
	s7 =	simm.s32 $0x100;
	[sflag:s3] =	ssyncset.done $0x0  }
0xb: {  	s8 =	simm.s32 $0x1;
	s5 =	sadd.s32 $0x189A00, s10;
	[sflag:s3] =	ssyncadd.s32 $0xFFFFFFB0  }
0xc: {  	[tilespmem:s7], [sflag:$0x1] =	stream.indirect.gather [hbm4b:s5+s6], $0x80, s2, s6, $0xb8;
	[tilespmem:$0x2900] =	vst v63  }
0xd: {  	s9 =	smul.u32 $0xA00, s9;
	_ =	swait.ge [sflag:s8], $0x2800  }
0xe: {  	s14 =	sadd.s32 $0x3400, s10;
	[sflag:s8] =	ssyncset.done $0x0  }
0xf: {  	s9 =	sadd.s32 s14, s9;
	[sflag:s8] =	ssyncadd.s32 $0xFFFFD800  }
0x10: {  	[hbm4b:s9+s2] =	stream.linear.scatter [tilespmem:s7], [sflag:$0x2], $0x2800, $0x38;
	[tilespmem:$0x2900] =	vst v63  }
0x11: {  	s15 =	sadd.s32 $0x50, s11;
	_ =	swait.ge [sflag:s3], $0x2800  }
0x12: {  	s12 =	ssub.s32 $0x2, s12;
	s29 =	sshrl.u32 s15, $0x3;
	[sflag:s3] =	ssyncset.done $0x0  }
0x13: {  	s11 =	simm.s32 $0x80;
	s10 =	sadd.s32 s13, s29;
	[sflag:s3] =	ssyncadd.s32 $0xFFFFD800  }
0x14: {  	[tilespmem:s11], [sflag:$0x2] =	stream.linear.gather [hbm4b:s10+s2], $0x50, $0x38;
	[tilespmem:$0x2900] =	vst v63  }
0x15: {  	s30 =	sshrl.u32 s12, $0x1;
	_ =	swait.ge [sflag:s3], $0x50  }
0x16: {  	s13 =	ssub.s32 s12, s30;
	[sflag:s3] =	ssyncset.done $0x0  }
0x17: {  	s13 =	smax.u32 s13, $0x1;
	[sflag:s3] =	ssyncadd.s32 $0xFFFFFFB0  }
0x18: {  	[tilespmem:s7], [sflag:$0x1] =	stream.indirect.gather [hbm4b:s5+s6], $0x80, s11, s6, $0xb8;
	[tilespmem:$0x2900] =	vst v63  }
0x19: {  	p0 =	sne.s32 s13, $0x1;
	_ =	swait.ge [sflag:s8], $0x2800  }
.Ltmp0:
0x1a: {  	s31 =	sshll.u32 s15, $0x4;
	[sflag:s8] =	ssyncset.done $0x0;
	(pc) =	sbr.rel @!p0 .LBB2_2-.Ltmp0, $4  }
0x1b: {  	s12 =	sadd.s32 s14, s31;
	[sflag:s8] =	ssyncadd.s32 $0xFFFFD800  }
0x1c: {  	[hbm4b:s12+s2] =	stream.linear.scatter [tilespmem:s7], [sflag:$0x2], $0x2800, $0x38;
	[tilespmem:$0x2900] =	vst v63  }
0x1d: {  	_ =	swait.ge [sflag:s3], $0x2800  }
0x1e: {  	s13 =	sadd.s32 $0xFFFFFFFF, s13;
	[sflag:s3] =	ssyncset.done $0x0  }
.LBB2_1:
0x1f: {  	p0 =	sne.s32 s13, $0x1;
	s13 =	sadd.s32 $0xFFFFFFFF, s13;
	[sflag:s3] =	ssyncadd.s32 $0xFFFFD800  }
0x20: {  	[tilespmem:s2], [sflag:$0x2] =	stream.linear.gather [hbm4b:s4+s2], $0x50, $0x38;
	[tilespmem:$0x2900] =	vst v63  }
0x21: {  	_ =	swait.ge [sflag:s3], $0x50  }
0x22: {  	[sflag:s3] =	ssyncset.done $0x0  }
0x23: {  	[sflag:s3] =	ssyncadd.s32 $0xFFFFFFB0  }
0x24: {  	[tilespmem:s7], [sflag:$0x1] =	stream.indirect.gather [hbm4b:s5+s6], $0x80, s2, s6, $0xb8;
	[tilespmem:$0x2900] =	vst v63  }
0x25: {  	_ =	swait.ge [sflag:s8], $0x2800  }
0x26: {  	[sflag:s8] =	ssyncset.done $0x0  }
0x27: {  	[sflag:s8] =	ssyncadd.s32 $0xFFFFD800  }
0x28: {  	[hbm4b:s9+s2] =	stream.linear.scatter [tilespmem:s7], [sflag:$0x2], $0x2800, $0x38;
	[tilespmem:$0x2900] =	vst v63  }
0x29: {  	_ =	swait.ge [sflag:s3], $0x2800  }
0x2a: {  	[sflag:s3] =	ssyncset.done $0x0  }
0x2b: {  	[sflag:s3] =	ssyncadd.s32 $0xFFFFD800  }
0x2c: {  	[tilespmem:s11], [sflag:$0x2] =	stream.linear.gather [hbm4b:s10+s2], $0x50, $0x38;
	[tilespmem:$0x2900] =	vst v63  }
0x2d: {  	_ =	swait.ge [sflag:s3], $0x50  }
0x2e: {  	[sflag:s3] =	ssyncset.done $0x0  }
0x2f: {  	[sflag:s3] =	ssyncadd.s32 $0xFFFFFFB0  }
0x30: {  	[tilespmem:s7], [sflag:$0x1] =	stream.indirect.gather [hbm4b:s5+s6], $0x80, s11, s6, $0xb8;
	[tilespmem:$0x2900] =	vst v63  }
0x31: {  	_ =	swait.ge [sflag:s8], $0x2800  }
.Ltmp1:
0x32: {  	[sflag:s8] =	ssyncset.done $0x0;
	(pc) =	sbr.rel @p0 .LBB2_1-.Ltmp1, $4  }
0x33: {  	[sflag:s8] =	ssyncadd.s32 $0xFFFFD800  }
0x34: {  	[hbm4b:s12+s2] =	stream.linear.scatter [tilespmem:s7], [sflag:$0x2], $0x2800, $0x38;
	[tilespmem:$0x2900] =	vst v63  }
0x35: {  	_ =	swait.ge [sflag:s3], $0x2800  }
0x36: {  	[sflag:s3] =	ssyncset.done $0x0  }
.LBB2_2:
0x37: {  	[sflag:s3] =	ssyncadd.s32 $0xFFFFD800  }
0x38: {  	_ =	sfence.sel $0x180000  }
0x39: {  	[bflag:$0x0] =	sbarrier.arrive $0xFFFF  }
0x3a: {  	p0 =	sne.s32 s0, $0x0;
	_ =	strace $0x90000047  }
0x3b: {  	s0 =	sadd.s32 @!p0 $0x100000, s1;
	[bflag:$0x2] =	sbarrier.arrive $0xFFFF  }
0x3c: {  	[sflag:s0] =	ssyncadd.tile.s32 @!p0 $0x1;
	_ =	shalt  }
.Lfunc_end2:
_tile_overlayer_lowered:
.L_overlay_start_2:
0x3d: {  	(tag) =	ssettag $0x2  }
0x3e: {  	s0 =	rddreg [dreg:$0x0];
	s2 =	stileid.u32  }
0x3f: {  	s1 =	rddreg [dreg:$0x1];
	p0 =	sne.s32 s2, $0x0  }
0x40: {  	s3 =	rddreg [dreg:$0x2];
	[bflag:$0x3] =	sbarrier.arrive $0xFFFF;
	s2 =	simm.s32 @!p0 $0x1C02  }
0x41: {  	[timem:s3], [sflag:s2] =	dma.local @!p0 [hbm:s0], s1  }
0x42: {  	s0 =	simm.s32 @!p0 $0x2  }
0x43: {  	_ =	swait.ge @!p0 [sflag:s0], s1  }
0x44: {  	s1 =	ssub.s32 @!p0 $0x0, s1;
	[sflag:s0] =	ssyncset.done @!p0 $0x0  }
0x45: {  	[sflag:s0] =	ssyncadd.s32 @!p0 s1  }
0x46: {  	[bflag:$0x3] =	sbarrier.arrive $0xFFFF  }
0x47: {  	_ =	shalt  }

// kernel: sc_gather_wy.3.cloned.1.call-start
scs
__scs_entry_jumppad:
0x0: {  	(pc) =	sbr.rel $0x88, $3  }
0x1: {  	(tag) =	ssettag $0x0;
	lr =	simm.s32 $0x1  }
0x2: {  	[smem:$0x3F9B] =	sst lr;
	_ =	strace $0xD0000000  }
0x3: {  	_ = 	snop  }
0x4: {  	_ = 	snop  }
0x5: {  	_ = 	snop  }
0x6: {  	_ = 	snop  }
0x7: {  	_ = 	snop  }
__scs_overlays_trampoline_lowered:
0x8: {  	[smem:$0x3FAA] =	sst s0  }
0x9: {  	[smem:$0x3FAB] =	sst s1  }
0xa: {  	[smem:$0x3FAC] =	sst s2  }
0xb: {  	[smem:$0x3FAD] =	sst s3  }
0xc: {  	[smem:$0x3FAE] =	sst s4  }
0xd: {  	[smem:$0x3FAF] =	sst s5  }
0xe: {  	[smem:$0x3FB0] =	sst s6  }
0xf: {  	[smem:$0x3FB1] =	sst s7  }
0x10: {  	[smem:$0x3FB2] =	sst s8  }
0x11: {  	[smem:$0x3FB3] =	sst s9;
	s0 =	simm.s32 @!p0 $0x0  }
0x12: {  	s1 =	sld [smem:$0x3F99];
	s0 =	simm.s32 @p0 $0x1  }
0x13: {  	[smem:$0x3FB4] =	sst s0;
	s0 =	simm.s32 @!p1 $0x0  }
0x14: {  	s2 =	sld [smem:$0x3F98];
	s0 =	simm.s32 @p1 $0x1  }
0x15: {  	[smem:$0x3FB5] =	sst s0;
	s0 =	simm.s32 @!p2 $0x0  }
0x16: {  	s3 =	sld [smem:$0x3FDB];
	s0 =	simm.s32 @p2 $0x1  }
0x17: {  	s4 =	simm.s32 $0x1BF5;
	[smem:$0x3FB7] =	sst s0  }
0x18: {  	s0 =	sld [smem:$0x3F9A];
	_ =	swait.ge [sflag:s4], $0x0  }
0x19: {  	s7 =	sld [smem:$0x3F9B]  }
0x1a: {  	s8 =	sadd.s32 $0xFFFFE003, lr  }
0x1b: {  	s9 =	sadd.s32 $0xFFFFFEF7, lr;
	s5 =	simm.s32 $0xFFFFFFFF;
	p2 =	slt.u32 s8, $0xFFFFF086  }
0x1c: {  	p1 =	slt.u32 s9, $0xF7A;
	s5 =	simm.s32 @!p2 $0x0  }
0x1d: {  	s5 =	simm.s32 @p1 $0x1;
	p0 =	seq.s32 s7, s2  }
0x1e: {  	s7 =	smul.u32 @!p0 $0xF7A, s2;
	p2 =	seq.s32 @!p0 s5, $0x0  }
0x1f: {  	s9 =	smul.u32 $0xF7A, s1;
	s8 =	simm.s32 @!p0 $0x1BF5;
	p2 =	por !p2, p0  }
0x20: {  	[sflag:s8] =	ssyncset.s32 @!p0 $0xFFFFF086;
	s6 =	sadd.s32 @!p0 s3, s7;
	s7 =	simm.s32 @!p0 $0x108  }
0x21: {  	s3 =	sadd.s32 s3, s9;
	s6 =	sadd.s32 @!p0 $0x88, s6;
	s7 =	simm.s32 @p2 $0x1082  }
0x22: {  	[simem:s7], [sflag:s8] =	dma.local @!p0 [hbm:s6], $0xF7A  }
0x23: {  	s9 =	sor.u32 $0xD0000000, s2;
	s6 =	simm.s32 $0x108;
	_ =	swait.ge @!p0 [sflag:s8], $0x0  }
0x24: {  	s3 =	sadd.s32 $0x88, s3;
	s6 =	simm.s32 @!p1 $0x1082;
	[sflag:s4] =	ssyncset.s32 $0xFFFFF086  }
0x25: {  	[simem:s6], [sflag:s4] =	dma.local [hbm:s3], $0xF7A  }
0x26: {  	[smem:$0x3F9B] =	sst s1;
	(tag) =	ssettag s2;
	_ =	strace s9  }
0x27: {  	s1 =	sld [smem:$0x3FAB]  }
0x28: {  	s2 =	sld [smem:$0x3FAC]  }
0x29: {  	s4 =	sld [smem:$0x3FAE]  }
0x2a: {  	p0 =	seq.s32 s5, $0x0;
	s5 =	sld [smem:$0x3FAF]  }
0x2b: {  	s6 =	sld [smem:$0x3FB0]  }
0x2c: {  	s7 =	sld [smem:$0x3FB1]  }
0x2d: {  	s3 =	simm.s32 $0x108;
	s8 =	sld [smem:$0x3FB2]  }
0x2e: {  	s3 =	simm.s32 @!p0 $0x1082;
	s9 =	sld [smem:$0x3FB3]  }
0x2f: {  	lr =	sadd.s32 s0, s3;
	s0 =	sld [smem:$0x3FAA]  }
0x30: {  	s3 =	sld [smem:$0x3FAD]  }
0x31: {  	[smem:$0x3FB6] =	sst s10  }
0x32: {  	s10 =	sld [smem:$0x3FB4];
	_ =	sdelay $0x3  }
0x33: {  	p0 =	seq.s32 s10, $0x1;
	s10 =	sld [smem:$0x3FB6];
	_ =	sdelay $0x3  }
0x34: {  	[smem:$0x3FB6] =	sst s10  }
0x35: {  	s10 =	sld [smem:$0x3FB5];
	_ =	sdelay $0x3  }
0x36: {  	p1 =	seq.s32 s10, $0x1;
	s10 =	sld [smem:$0x3FB6];
	_ =	sdelay $0x3  }
0x37: {  	[smem:$0x3FB6] =	sst s10  }
0x38: {  	s10 =	sld [smem:$0x3FB7]  }
0x39: {  	_ = 	snop;
	(pc) =	sbr.ind lr, $3  }
0x3a: {  	_ = 	snop  }
0x3b: {  	_ = 	snop  }
0x3c: {  	p2 =	seq.s32 s10, $0x1;
	s10 =	sld [smem:$0x3FB6]  }
0x3d: {  	_ =	shalt  }
0x3e: {  	_ =	shalt  }
0x3f: {  	_ =	shalt  }
0x40: {  	_ =	shalt  }
0x41: {  	_ =	shalt  }
0x42: {  	_ =	shalt  }
0x43: {  	_ =	shalt  }
0x44: {  	_ =	shalt  }
0x45: {  	_ =	shalt  }
0x46: {  	_ =	shalt  }
0x47: {  	_ =	shalt  }
0x48: {  	_ =	shalt  }
0x49: {  	_ =	shalt  }
0x4a: {  	_ =	shalt  }
0x4b: {  	_ =	shalt  }
0x4c: {  	_ =	shalt  }
0x4d: {  	_ =	shalt  }
0x4e: {  	_ =	shalt  }
0x4f: {  	_ =	shalt  }
0x50: {  	_ =	shalt  }
0x51: {  	_ =	shalt  }
0x52: {  	_ =	shalt  }
0x53: {  	_ =	shalt  }
0x54: {  	_ =	shalt  }
0x55: {  	_ =	shalt  }
0x56: {  	_ =	shalt  }
0x57: {  	_ =	shalt  }
0x58: {  	_ =	shalt  }
0x59: {  	_ =	shalt  }
0x5a: {  	_ =	shalt  }
0x5b: {  	_ =	shalt  }
0x5c: {  	_ =	shalt  }
0x5d: {  	_ =	shalt  }
0x5e: {  	_ =	shalt  }
0x5f: {  	_ =	shalt  }
0x60: {  	_ =	shalt  }
0x61: {  	_ =	shalt  }
0x62: {  	_ =	shalt  }
0x63: {  	_ =	shalt  }
0x64: {  	_ =	shalt  }
0x65: {  	_ =	shalt  }
0x66: {  	_ =	shalt  }
0x67: {  	_ =	shalt  }
0x68: {  	_ =	shalt  }
0x69: {  	_ =	shalt  }
0x6a: {  	_ =	shalt  }
0x6b: {  	_ =	shalt  }
0x6c: {  	_ =	shalt  }
0x6d: {  	_ =	shalt  }
0x6e: {  	_ =	shalt  }
0x6f: {  	_ =	shalt  }
0x70: {  	_ =	shalt  }
0x71: {  	_ =	shalt  }
0x72: {  	_ =	shalt  }
0x73: {  	_ =	shalt  }
0x74: {  	_ =	shalt  }
0x75: {  	_ =	shalt  }
0x76: {  	_ =	shalt  }
0x77: {  	_ =	shalt  }
0x78: {  	_ =	shalt  }
0x79: {  	_ =	shalt  }
0x7a: {  	_ =	shalt  }
0x7b: {  	_ =	shalt  }
0x7c: {  	_ =	shalt  }
0x7d: {  	_ =	shalt  }
0x7e: {  	_ =	shalt  }
0x7f: {  	_ =	shalt  }
0x80: {  	_ =	shalt  }
0x81: {  	_ =	shalt  }
0x82: {  	_ =	shalt  }
0x83: {  	_ =	shalt  }
0x84: {  	_ =	shalt  }
0x85: {  	_ =	shalt  }
0x86: {  	_ =	shalt  }
0x87: {  	_ =	shalt  }
.Lfunc_end0:
.L_simem_size_0:
called_computation.1_lowered:
.L_overlay_start_0:
0x88: {  	s2 =	sld [smem:$0x3FD9]  }
0x89: {  	s3 =	sld [smem:$0x3FFE];
	_ =	sdelay $0x1  }
0x8a: {  	s1 =	srdreg.scid  }
0x8b: {  	s0 =	sand.u32 $0x1, s1  }
0x8c: {  	s17 =	sshll.u32 s0, $0xA;
	s2 =	sadd.s32 s3, s2  }
0x8d: {  	s2 =	sadd.s32 s2, s17  }
0x8e: {  	[smem:$0x3FC2] =	sst s2  }
0x8f: {  	_ = 	snop  }
0x90: {  	(tm) =	ssettm $0x1  }
0x91: {  	s18 =	sld [smem:$0x3FFB];
	_ =	sdelay $0x3  }
0x92: {  	_ =	strace s18  }
0x93: {  	s2 =	sld [smem:$0x3FFC];
	_ =	sdelay $0x3  }
0x94: {  	_ =	strace s2  }
0x95: {  	s2 =	sld [smem:$0x3FFD];
	_ =	sdelay $0x3  }
0x96: {  	_ =	strace s2  }
0x97: {  	_ =	strace $0x8FFFFFFF  }
0x98: {  	s19 =	sld [smem:$0x3FDB];
	_ =	sdelay $0x1  }
0x99: {  	s20 =	simm.s32 $_scs_section_size  }
0x9a: {  	s4 =	simm.s32 $_size__tile_overlayer_lowered;
	s5 =	simm.s32 $_tile_overlayer_lowered  }
0x9b: {  	s6 =	simm.s32 $0x1BFF;
	s21 =	sshll.u32 s5, $0x1;
	s3 =	sadd.s32 s20, s19  }
0x9c: {  	s22 =	simm.s32 $0x0;
	s4 =	sshll.u32 s4, $0x1;
	s5 =	sadd.s32 s21, s3  }
0x9d: {  	[timem:s22], [sflag:s6] =	dma.local [hbm:s5], s4  }
0x9e: {  	_ =	swait.ge [sflag:s6], s4  }
0x9f: {  	s4 =	ssub.s32 $0x0, s4;
	[sflag:s6] =	ssyncset.done $0x0  }
0xa0: {  	[sflag:s6] =	ssyncadd.s32 s4;
	_ =	sdelay $0x1  }
0xa1: {  	s23 =	simm.s32 $0x1B8B  }
0xa2: {  	_ =	swait.ge [sflag:s23], $0x1  }
0xa3: {  	[sflag:s23] =	ssyncset.done $0x0  }
0xa4: {  	[sflag:s23] =	ssyncadd.s32 $0xFFFFFFFF  }
0xa5: {  	s4 =	sld [smem:$0x0]  }
0xa6: {  	s5 =	sand.u32 $0xFFFFFFFE, s1  }
0xa7: {  	p0 =	sne.s32 s1, s5  }
0xa8: {  	s5 =	sshll.u32 @p0 s5, $0xE  }
0xa9: {  	s5 =	sadd.s32 @p0 $0x11B8D, s5;
	s6 =	sshll.u32 @p0 s4, $0x11  }
0xaa: {  	s5 =	sor.u32 @p0 s6, s5  }
0xab: {  	[sflag:s5] =	ssyncadd.remote.s32 @p0 $0x1;
	_ =	sdelay $0x1  }
0xac: {  	s5 =	simm.s32 @p0 $0x1B8D  }
0xad: {  	_ =	swait.eq @p0 [sflag:s5], $0x1  }
0xae: {  	[sflag:s5] =	ssyncadd.s32 @p0 $0xFFFFFFFF  }
0xaf: {  	s6 =	sshll.u32 @!p0 s1, $0xE  }
0xb0: {  	s6 =	sor.u32 @!p0 $0x4000, s6;
	s5 =	simm.s32 @!p0 $0x1B8D  }
0xb1: {  	s4 =	sshll.u32 @!p0 s4, $0x11;
	s6 =	sadd.s32 @!p0 $0x11B8D, s6;
	_ =	swait.eq @!p0 [sflag:s5], $0x1  }
0xb2: {  	s4 =	sor.u32 @!p0 s4, s6;
	[sflag:s5] =	ssyncadd.s32 @!p0 $0xFFFFFFFF  }
0xb3: {  	s25 =	simm.s32 $0x1B8E;
	s24 =	sld [smem:$0x3FFE];
	[sflag:s4] =	ssyncadd.remote.s32 @!p0 $0x1  }
0xb4: {  	s26 =	simm.s32 $execute0_lowered;
	[smem:$0x3FD2] =	sst s25  }
0xb5: {  	s5 =	sshll.u32 s26, $0x1;
	_ =	strace $0x80000049;
	[dreg:$0x1] =	wrdreg $0xFFFFFFFF  }
0xb6: {  	s28 =	simm.s32 $_size_execute0_lowered;
	s3 =	sadd.s32 s3, s5;
	[dreg:$0x0] =	wrdreg $0x0  }
0xb7: {  	s5 =	sshll.u32 s28, $0x1;
	[dreg:$0x2] =	wrdreg s3  }
0xb8: {  	[dreg:$0x3] =	wrdreg s5  }
0xb9: {  	[dreg:$0x4] =	wrdreg $0xC0  }
0xba: {  	_ =	task [dreg:s22], $0x5FFFF  }
0xbb: {  	[dreg:$0x1] =	wrdreg $0xFFFFFFFF  }
0xbc: {  	[dreg:$0x0] =	wrdreg $0x60  }
0xbd: {  	[dreg:$0x2] =	wrdreg s24  }
0xbe: {  	[dreg:$0x3] =	wrdreg $0xA  }
0xbf: {  	_ =	task.clear_ibuf [dreg:s22], $0x4FFFF;
	_ =	strace $0x90000049  }
0xc0: {  	s29 =	simm.s32 $0xA;
	_ =	strace $0x8000004B  }
0xc1: {  	_ =	swait.ge [sflag:s29], $0x1  }
0xc2: {  	[sflag:s29] =	ssyncadd.s32 $0xFFFFFFFF  }
0xc3: {  	_ =	strace $0x9000004B  }
0xc4: {  	_ =	sfence  }
0xc5: {  	s30 =	sld [smem:$0x0];
	_ =	sdelay $0x2  }
0xc6: {  	s31 =	sshll.u32 s1, $0xD;
	s1 =	sshrl.u32 s1, $0x2  }
0xc7: {  	s4 =	sand.u32 $0x4000, s31;
	s1 =	sadd.s32 s1, s30  }
0xc8: {  	s0 =	sor.u32 s4, s0;
	s1 =	sshll.u32 s1, $0x11  }
0xc9: {  	s0 =	sor.u32 s1, s0  }
0xca: {  	s0 =	sadd.s32 $0x8F2B, s0  }
0xcb: {  	[sflag:s0] =	ssyncadd.remote.s32 $0x1  }
0xcc: {  	_ =	sfence.sel $0xFFFF  }
0xcd: {  	[dreg:$0x0] =	wrdreg $0xFFFFFFFF;
	(pc) =	sbr.abs _section_cstart, $3  }
0xce: {  	[dreg:$0x1] =	wrdreg $0xFFFFFFFF  }
0xcf: {  	_ =	task.clear_ibuf [dreg:s22], $0x2FFFF;
	_ =	strace $0x9FFFFFFF  }
0xd0: {  	(tm) =	ssettm $0x7FFFFFFF  }
0xd1: {  	_ =	shalt  }
tec
execute0_lowered:
.L_overlay_start_1:
0x0: {  	(tag) =	ssettag $0x1  }
0x1: {  	s1 =	srdreg.scid;
	s0 =	stileid.u32  }
0x2: {  	s12 =	sand.u32 $0x1, s1;
	s28 =	sshll.u32 s0, $0x1  }
0x3: {  	s9 =	sor.u32 s12, s28  }
0x4: {  	s10 =	rddreg [dreg:$0x0];
	s11 =	smul.u32 $0xA0, s9  }
0x5: {  	s2 =	simm.s32 $0x0;
	s1 =	rddreg [dreg:$0x1]  }
0x6: {  	[smem:$0x7FF] =	sst s2;
	s13 =	sadd.s32 $0xDAC00, s10;
	s3 =	sshrl.u32 s11, $0x3  }
0x7: {  	_ =	strace $0x8000004A;
	s4 =	sadd.s32 s13, s3;
	s3 =	simm.s32 $0x2  }
0x8: {  	[tilespmem:s2], [sflag:$0x2] =	stream.linear.gather [hbm4b:s4+s2], $0x50, $0x38;
	[tilespmem:$0x2900] =	vst v63  }
0x9: {  	_ =	swait.ge [sflag:s3], $0x50  }
0xa: {  	s6 =	simm.s32 $0x50;
	s7 =	simm.s32 $0x100;
	[sflag:s3] =	ssyncset.done $0x0  }
0xb: {  	s8 =	simm.s32 $0x1;
	s5 =	sadd.s32 $0x17400, s10;
	[sflag:s3] =	ssyncadd.s32 $0xFFFFFFB0  }
0xc: {  	[tilespmem:s7], [sflag:$0x1] =	stream.indirect.gather [hbm4b:s5+s6], $0x80, s2, s6, $0xb8;
	[tilespmem:$0x2900] =	vst v63  }
0xd: {  	s9 =	smul.u32 $0xA00, s9;
	_ =	swait.ge [sflag:s8], $0x2800  }
0xe: {  	s14 =	sadd.s32 $0xDB000, s10;
	[sflag:s8] =	ssyncset.done $0x0  }
0xf: {  	s9 =	sadd.s32 s14, s9;
	[sflag:s8] =	ssyncadd.s32 $0xFFFFD800  }
0x10: {  	[hbm4b:s9+s2] =	stream.linear.scatter [tilespmem:s7], [sflag:$0x2], $0x2800, $0x38;
	[tilespmem:$0x2900] =	vst v63  }
0x11: {  	s15 =	sadd.s32 $0x50, s11;
	_ =	swait.ge [sflag:s3], $0x2800  }
0x12: {  	s12 =	ssub.s32 $0x2, s12;
	s29 =	sshrl.u32 s15, $0x3;
	[sflag:s3] =	ssyncset.done $0x0  }
0x13: {  	s11 =	simm.s32 $0x80;
	s10 =	sadd.s32 s13, s29;
	[sflag:s3] =	ssyncadd.s32 $0xFFFFD800  }
0x14: {  	[tilespmem:s11], [sflag:$0x2] =	stream.linear.gather [hbm4b:s10+s2], $0x50, $0x38;
	[tilespmem:$0x2900] =	vst v63  }
0x15: {  	s30 =	sshrl.u32 s12, $0x1;
	_ =	swait.ge [sflag:s3], $0x50  }
0x16: {  	s13 =	ssub.s32 s12, s30;
	[sflag:s3] =	ssyncset.done $0x0  }
0x17: {  	s13 =	smax.u32 s13, $0x1;
	[sflag:s3] =	ssyncadd.s32 $0xFFFFFFB0  }
0x18: {  	[tilespmem:s7], [sflag:$0x1] =	stream.indirect.gather [hbm4b:s5+s6], $0x80, s11, s6, $0xb8;
	[tilespmem:$0x2900] =	vst v63  }
0x19: {  	p0 =	sne.s32 s13, $0x1;
	_ =	swait.ge [sflag:s8], $0x2800  }
.Ltmp0:
0x1a: {  	s31 =	sshll.u32 s15, $0x4;
	[sflag:s8] =	ssyncset.done $0x0;
	(pc) =	sbr.rel @!p0 .LBB2_2-.Ltmp0, $4  }
0x1b: {  	s12 =	sadd.s32 s14, s31;
	[sflag:s8] =	ssyncadd.s32 $0xFFFFD800  }
0x1c: {  	[hbm4b:s12+s2] =	stream.linear.scatter [tilespmem:s7], [sflag:$0x2], $0x2800, $0x38;
	[tilespmem:$0x2900] =	vst v63  }
0x1d: {  	_ =	swait.ge [sflag:s3], $0x2800  }
0x1e: {  	s13 =	sadd.s32 $0xFFFFFFFF, s13;
	[sflag:s3] =	ssyncset.done $0x0  }
.LBB2_1:
0x1f: {  	p0 =	sne.s32 s13, $0x1;
	s13 =	sadd.s32 $0xFFFFFFFF, s13;
	[sflag:s3] =	ssyncadd.s32 $0xFFFFD800  }
0x20: {  	[tilespmem:s2], [sflag:$0x2] =	stream.linear.gather [hbm4b:s4+s2], $0x50, $0x38;
	[tilespmem:$0x2900] =	vst v63  }
0x21: {  	_ =	swait.ge [sflag:s3], $0x50  }
0x22: {  	[sflag:s3] =	ssyncset.done $0x0  }
0x23: {  	[sflag:s3] =	ssyncadd.s32 $0xFFFFFFB0  }
0x24: {  	[tilespmem:s7], [sflag:$0x1] =	stream.indirect.gather [hbm4b:s5+s6], $0x80, s2, s6, $0xb8;
	[tilespmem:$0x2900] =	vst v63  }
0x25: {  	_ =	swait.ge [sflag:s8], $0x2800  }
0x26: {  	[sflag:s8] =	ssyncset.done $0x0  }
0x27: {  	[sflag:s8] =	ssyncadd.s32 $0xFFFFD800  }
0x28: {  	[hbm4b:s9+s2] =	stream.linear.scatter [tilespmem:s7], [sflag:$0x2], $0x2800, $0x38;
	[tilespmem:$0x2900] =	vst v63  }
0x29: {  	_ =	swait.ge [sflag:s3], $0x2800  }
0x2a: {  	[sflag:s3] =	ssyncset.done $0x0  }
0x2b: {  	[sflag:s3] =	ssyncadd.s32 $0xFFFFD800  }
0x2c: {  	[tilespmem:s11], [sflag:$0x2] =	stream.linear.gather [hbm4b:s10+s2], $0x50, $0x38;
	[tilespmem:$0x2900] =	vst v63  }
0x2d: {  	_ =	swait.ge [sflag:s3], $0x50  }
0x2e: {  	[sflag:s3] =	ssyncset.done $0x0  }
0x2f: {  	[sflag:s3] =	ssyncadd.s32 $0xFFFFFFB0  }
0x30: {  	[tilespmem:s7], [sflag:$0x1] =	stream.indirect.gather [hbm4b:s5+s6], $0x80, s11, s6, $0xb8;
	[tilespmem:$0x2900] =	vst v63  }
0x31: {  	_ =	swait.ge [sflag:s8], $0x2800  }
.Ltmp1:
0x32: {  	[sflag:s8] =	ssyncset.done $0x0;
	(pc) =	sbr.rel @p0 .LBB2_1-.Ltmp1, $4  }
0x33: {  	[sflag:s8] =	ssyncadd.s32 $0xFFFFD800  }
0x34: {  	[hbm4b:s12+s2] =	stream.linear.scatter [tilespmem:s7], [sflag:$0x2], $0x2800, $0x38;
	[tilespmem:$0x2900] =	vst v63  }
0x35: {  	_ =	swait.ge [sflag:s3], $0x2800  }
0x36: {  	[sflag:s3] =	ssyncset.done $0x0  }
.LBB2_2:
0x37: {  	[sflag:s3] =	ssyncadd.s32 $0xFFFFD800  }
0x38: {  	_ =	sfence.sel $0x180000  }
0x39: {  	[bflag:$0x0] =	sbarrier.arrive $0xFFFF  }
0x3a: {  	p0 =	sne.s32 s0, $0x0;
	_ =	strace $0x9000004A  }
0x3b: {  	s0 =	sadd.s32 @!p0 $0x100000, s1;
	[bflag:$0x2] =	sbarrier.arrive $0xFFFF  }
0x3c: {  	[sflag:s0] =	ssyncadd.tile.s32 @!p0 $0x1;
	_ =	shalt  }
.Lfunc_end2:
_tile_overlayer_lowered:
.L_overlay_start_2:
0x3d: {  	(tag) =	ssettag $0x2  }
0x3e: {  	s0 =	rddreg [dreg:$0x0];
	s2 =	stileid.u32  }
0x3f: {  	s1 =	rddreg [dreg:$0x1];
	p0 =	sne.s32 s2, $0x0  }
0x40: {  	s3 =	rddreg [dreg:$0x2];
	[bflag:$0x3] =	sbarrier.arrive $0xFFFF;
	s2 =	simm.s32 @!p0 $0x1C02  }
0x41: {  	[timem:s3], [sflag:s2] =	dma.local @!p0 [hbm:s0], s1  }
0x42: {  	s0 =	simm.s32 @!p0 $0x2  }
0x43: {  	_ =	swait.ge @!p0 [sflag:s0], s1  }
0x44: {  	s1 =	ssub.s32 @!p0 $0x0, s1;
	[sflag:s0] =	ssyncset.done @!p0 $0x0  }
0x45: {  	[sflag:s0] =	ssyncadd.s32 @!p0 s1  }
0x46: {  	[bflag:$0x3] =	sbarrier.arrive $0xFFFF  }
0x47: {  	_ =	shalt  }

</sc_bundles>
